<compile_context>
chip_gen: v7x
topology: tpu7x:2x2x1
jax: 0.10.2.dev20260603
libtpu: 0.0.44.dev20260713+nightly
codegen_flags: <defaults>
</compile_context>

<pallas_src>
import functools

import jax
import jax.numpy as jnp
from jax import lax
from jax.experimental import pallas as pl
from jax.experimental.pallas import tpu as pltpu
from jax.experimental.pallas import tpu_sc as plsc

E = 8
TOPK = 2
D = 768
F = 768
T = 2048
A = T * TOPK

B = 256
NB = A // B + E
RMAX = NB * B

NW = 32
RPW = RMAX // NW
TPW = T // NW
DW = D // 2

_NEG = -1e30



def _router_body(x_ref, wg_ref, pos_ref, wts_ref, end_ref):
    x = x_ref[...]
    logits = jnp.dot(x, wg_ref[...], preferred_element_type=jnp.float32)
    idx = lax.broadcasted_iota(jnp.int32, (T, E), 1)
    m1 = jnp.max(logits, axis=1, keepdims=True)
    i1 = jnp.min(jnp.where(logits == m1, idx, E), axis=1, keepdims=True)
    l2 = jnp.where(idx == i1, _NEG, logits)
    m2 = jnp.max(l2, axis=1, keepdims=True)
    i2 = jnp.min(jnp.where(l2 == m2, idx, E), axis=1, keepdims=True)
    wa = jax.nn.sigmoid(m1 - m2)

    oh1 = (idx == i1).astype(jnp.float32)
    oh2 = (idx == i2).astype(jnp.float32)
    onehot = oh1 + oh2

    CB = 512
    r = lax.broadcasted_iota(jnp.int32, (CB, CB), 0)
    c = lax.broadcasted_iota(jnp.int32, (CB, CB), 1)
    tri = (c < r).astype(jnp.float32)
    run = jnp.zeros((1, E), jnp.float32)
    parts = []
    for bi in range(T // CB):
        ab = onehot[bi * CB:(bi + 1) * CB, :]
        parts.append(jnp.dot(tri, ab, preferred_element_type=jnp.float32) + run)
        run = run + jnp.sum(ab, axis=0, keepdims=True)
    cnt = jnp.concatenate(parts, axis=0)

    seg = jnp.floor((run + (B - 1)) * (1.0 / B)) * B
    er = lax.broadcasted_iota(jnp.int32, (E, E), 0)
    ec = lax.broadcasted_iota(jnp.int32, (E, E), 1)
    tri8 = (er < ec).astype(jnp.float32)
    off = jnp.dot(seg, tri8, preferred_element_type=jnp.float32)

    posc = cnt + off
    p1 = jnp.sum(oh1 * posc, axis=1, keepdims=True)
    p2 = jnp.sum(oh2 * posc, axis=1, keepdims=True)
    pos_ref[:, 0:1] = p1.astype(jnp.int32)
    pos_ref[:, 1:2] = p2.astype(jnp.int32)
    wts_ref[:, 0:1] = wa
    wts_ref[:, 1:2] = 1.0 - wa
    end_ref[...] = (off + seg).astype(jnp.int32)


def _router(x, wg):
    return pl.pallas_call(
        _router_body,
        in_specs=[
            pl.BlockSpec((T, D), lambda: (0, 0)),
            pl.BlockSpec((D, E), lambda: (0, 0)),
        ],
        out_specs=[
            pl.BlockSpec((T, TOPK), lambda: (0, 0)),
            pl.BlockSpec((T, TOPK), lambda: (0, 0)),
            pl.BlockSpec((1, E), lambda: (0, 0)),
        ],
        out_shape=[
            jax.ShapeDtypeStruct((T, TOPK), jnp.int32),
            jax.ShapeDtypeStruct((T, TOPK), jnp.float32),
            jax.ShapeDtypeStruct((1, E), jnp.int32),
        ],
    )(x, wg)



APS = A // 16
ZPS = RMAX // 16


@functools.cache
def _sc_dispatch():
    mesh = plsc.VectorSubcoreMesh(core_axis_name="c", subcore_axis_name="s")
    return functools.partial(
        pl.kernel,
        mesh=mesh,
        compiler_params=pltpu.CompilerParams(needs_layout_passes=False),
        out_type=[
            jax.ShapeDtypeStruct((RMAX, DW), jnp.int32),
            jax.ShapeDtypeStruct((RMAX,), jnp.float32),
        ],
        scratch_types=[
            pltpu.VMEM((APS,), jnp.int32),
            pltpu.VMEM((APS,), jnp.float32),
            pltpu.VMEM((APS,), jnp.int32),
            pltpu.VMEM((ZPS,), jnp.int32),
            pltpu.VMEM((ZPS,), jnp.float32),
            pltpu.VMEM((RPW,), jnp.int32),
            pltpu.VMEM((RPW, DW), jnp.int32),
            pltpu.VMEM_SHARED((RMAX,), jnp.int32),
            pltpu.VMEM_SHARED((RMAX,), jnp.float32),
            pltpu.SemaphoreType.DMA,
        ],
    )(_dispatch_body)


def _dispatch_body(x_hbm, pos_hbm, wts_hbm, xs_hbm, scale_hbm,
                   pos_v, wts_v, tok_v, zi_v, zf_v, r2t_v,
                   rows_v, r2t_sh, scale_sh, sem):
    cid = lax.axis_index("c")
    sid = lax.axis_index("s")
    wid = sid * 2 + cid

    abase = sid * APS
    pltpu.sync_copy(pos_hbm.at[pl.ds(abase, APS)], pos_v)
    pltpu.sync_copy(wts_hbm.at[pl.ds(abase, APS)], wts_v)

    zi = jnp.zeros((16,), jnp.int32)
    zf = jnp.zeros((16,), jnp.float32)
    lane = lax.iota(jnp.int32, 16)
    for j in range(ZPS // 16):
        zi_v[pl.ds(j * 16, 16)] = zi
        zf_v[pl.ds(j * 16, 16)] = zf
    for j in range(APS // 16):
        tok_v[pl.ds(j * 16, 16)] = lax.shift_right_logical(
            abase + j * 16 + lane, 1)

    pltpu.sync_copy(zi_v, r2t_sh.at[pl.ds(sid * ZPS, ZPS)])
    pltpu.sync_copy(zf_v, scale_sh.at[pl.ds(sid * ZPS, ZPS)])
    plsc.subcore_barrier()

    pltpu.sync_copy(tok_v, r2t_sh.at[pos_v])
    pltpu.sync_copy(wts_v, scale_sh.at[pos_v])
    plsc.subcore_barrier()

    @pl.when(wid == 0)
    def _():
        pltpu.sync_copy(scale_sh, scale_hbm)

    base = wid * RPW
    pltpu.sync_copy(r2t_sh.at[pl.ds(base, RPW)], r2t_v)
    H = RPW // 2
    h0 = pltpu.async_copy(x_hbm.at[r2t_v.at[pl.ds(0, H)]],
                          rows_v.at[pl.ds(0, H)], sem)
    h1 = pltpu.async_copy(x_hbm.at[r2t_v.at[pl.ds(H, H)]],
                          rows_v.at[pl.ds(H, H)], sem)
    h0.wait()
    h1.wait()
    pltpu.sync_copy(rows_v, xs_hbm.at[pl.ds(base, RPW)])



def _gemm_body(end_ref, xs_ref, scale_ref, w1_ref, w2_ref, ys_ref):
    b = pl.program_id(0)
    nbu = end_ref[E - 1] // B

    @pl.when(b < nbu)
    def _():
        xb = xs_ref[...]
        w1e = w1_ref[0].astype(jnp.bfloat16)
        h = lax.dot_general(xb, w1e, (((1,), (1,)), ((), ())),
                            preferred_element_type=jnp.float32)
        g = h[:, :F]
        u = h[:, F:]
        act = (g * jax.nn.sigmoid(g) * u).astype(jnp.bfloat16)
        y = jnp.dot(act, w2_ref[0].astype(jnp.bfloat16),
                    preferred_element_type=jnp.float32)
        ys_ref[...] = (y * scale_ref[...]).astype(jnp.bfloat16)


def _row_block(b, end_ref):
    nbu = end_ref[E - 1] // B
    return jnp.minimum(b, nbu - 1)


def _grp(b, end_ref):
    g = jnp.int32(0)
    for e in range(E):
        g = g + (end_ref[e] <= b * B).astype(jnp.int32)
    return jnp.minimum(g, E - 1)


def _gemm(endv, xs, scale, w1, w2):
    grid_spec = pltpu.PrefetchScalarGridSpec(
        num_scalar_prefetch=1,
        grid=(NB,),
        in_specs=[
            pl.BlockSpec((B, D), lambda b, end_ref: (_row_block(b, end_ref), 0)),
            pl.BlockSpec((B, 1), lambda b, end_ref: (_row_block(b, end_ref), 0)),
            pl.BlockSpec((1, 2 * F, D), lambda b, end_ref: (_grp(b, end_ref), 0, 0)),
            pl.BlockSpec((1, F, D), lambda b, end_ref: (_grp(b, end_ref), 0, 0)),
        ],
        out_specs=pl.BlockSpec((B, D), lambda b, end_ref: (_row_block(b, end_ref), 0)),
    )
    return pl.pallas_call(
        _gemm_body,
        grid_spec=grid_spec,
        out_shape=jax.ShapeDtypeStruct((RMAX, D), jnp.bfloat16),
    )(endv, xs, scale, w1, w2)



@functools.cache
def _sc_gather_pairs():
    mesh = plsc.VectorSubcoreMesh(core_axis_name="c", subcore_axis_name="s")
    return functools.partial(
        pl.kernel,
        mesh=mesh,
        out_type=jax.ShapeDtypeStruct((A, DW), jnp.int32),
        scratch_types=[
            pltpu.VMEM((TOPK * TPW,), jnp.int32),
            pltpu.VMEM((TOPK * TPW, DW), jnp.int32),
            pltpu.SemaphoreType.DMA,
        ],
    )(_gather_pairs_body)


def _gather_pairs_body(ys_hbm, pos_hbm, g_hbm, pos_v, buf_v, sem):
    wid = lax.axis_index("s") * 2 + lax.axis_index("c")
    abase = wid * TOPK * TPW
    pltpu.sync_copy(pos_hbm.at[pl.ds(abase, TOPK * TPW)], pos_v)
    pltpu.async_copy(ys_hbm.at[pos_v], buf_v, sem).wait()
    pltpu.sync_copy(buf_v, g_hbm.at[pl.ds(abase, TOPK * TPW)])



def _pairadd_body(g_ref, out_ref):
    a = g_ref[:, 0, :].astype(jnp.float32)
    b = g_ref[:, 1, :].astype(jnp.float32)
    out_ref[...] = a + b


def _pairadd(g16):
    return pl.pallas_call(
        _pairadd_body,
        in_specs=[pl.BlockSpec((T, TOPK, D), lambda: (0, 0, 0))],
        out_specs=pl.BlockSpec((T, D), lambda: (0, 0)),
        out_shape=jax.ShapeDtypeStruct((T, D), jnp.float32),
    )(g16)



@jax.jit
def kernel(hidden_states, Wg, w1, w2):
    pos, wts, endr = _router(hidden_states, Wg)
    posf = pos.reshape(A)
    wtsf = wts.reshape(A)
    endv = endr.reshape(E)
    x16 = hidden_states.astype(jnp.bfloat16)
    xi = lax.bitcast_convert_type(x16.reshape(T, DW, 2), jnp.int32)
    xsi, scale = _sc_dispatch()(xi, posf, wtsf)
    xs16 = lax.bitcast_convert_type(xsi, jnp.bfloat16).reshape(RMAX, D)
    ys = _gemm(endv, xs16, scale.reshape(RMAX, 1), w1, w2)
    yi = lax.bitcast_convert_type(ys.reshape(RMAX, DW, 2), jnp.int32)
    gi = _sc_gather_pairs()(yi, posf)
    g16 = lax.bitcast_convert_type(gi, jnp.bfloat16).reshape(T, TOPK, D)
    return _pairadd(g16)

# --- scband reference (transcript-rebuilt; emitter-appended) ---
"""Pipeline reference for scband-generic-moe-layer-20358144983695 (READ-ONLY COPY).

The authoritative reference and input builder live on the scoring server;
editing this copy changes nothing except your own understanding.
"""

import jax, jax.numpy as jnp
import numpy as np

E = 8
TOPK = 2
D = 768
F = 768  # moe_inter_padding_size
T = 2048  # num_tokens = batch(1) * seq_len(2048)


def setup_inputs(seed: int = 0) -> dict:
    key = jax.random.key(seed)
    k1, k2, k3, k4 = jax.random.split(key, 4)
    hidden_states = jax.random.normal(k1, (T, D), dtype=jnp.float32)
    Wg = jax.random.normal(k2, (D, E), dtype=jnp.float32) * 0.02   # router gate weight
    w1 = jax.random.normal(k3, (E, 2 * F, D), dtype=jnp.float32) * 0.02  # fused gate+up per expert
    w2 = jax.random.normal(k4, (E, F, D), dtype=jnp.float32) * 0.02      # down proj per expert
    return {"hidden_states": hidden_states, "Wg": Wg, "w1": w1, "w2": w2}


def reference(hidden_states, Wg, w1, w2):
    # Router: linear gate -> fp32 logits -> softmax -> top-k -> renormalize (Qwen3-style norm_topk_prob)
    router_logits = hidden_states @ Wg
    probs = jax.nn.softmax(router_logits.astype(jnp.float32), axis=-1)
    topk_weights, topk_ids = jax.lax.top_k(probs, TOPK)  # [T, k], [T, k]
    topk_weights = topk_weights / jnp.sum(topk_weights, axis=-1, keepdims=True)
    # Fused MoE with SiGLU activation; expert_map is identity (ep_size=1, all experts local).
    out = jnp.zeros((T, D), dtype=hidden_states.dtype)
    for e in range(E):
        coeff = jnp.sum(topk_weights * (topk_ids == e).astype(jnp.float32), axis=-1)  # [T]
        h = hidden_states @ w1[e].T          # [T, 2F]
        g, u = jnp.split(h, 2, axis=-1)      # gate, up
        act = jax.nn.silu(g) * u             # SiGLU
        y = act @ w2[e]                      # [T, D]
        out = out + coeff[:, None].astype(hidden_states.dtype) * y
    return out

if __name__ == "__main__":
    import jax
    _d = setup_inputs()
    print(jax.jit(kernel)(*tuple(_d.values())))

</pallas_src>

<mosaic_0001>
#map = affine_map<(d0, d1) -> (0, 0)>
#map1 = affine_map<(d0, d1) -> (0)>
module attributes {stable_mosaic.version = 14 : i64} {
  func.func @_gather_pairs_body(%arg0: i32, %arg1: i32, %arg2: memref<6144x384xi32, #tpu.memory_space<hbm>>, %arg3: memref<4096xi32, #tpu.memory_space<hbm>>, %arg4: memref<4096x384xi32, #tpu.memory_space<hbm>>, %arg5: memref<128xi32, #tpu.memory_space<vmem>>, %arg6: memref<128x384xi32, #tpu.memory_space<vmem>>, %arg7: memref<!tpu.dma_semaphore, #tpu.memory_space<semaphore_mem>>) attributes {dimension_semantics = [#tpu.dimension_semantics<core_parallel>, #tpu.dimension_semantics<subcore_parallel>], iteration_bounds = array<i64: 2, 16>, scalar_prefetch = 0 : i64, scratch_operands = 3 : i64, tpu.core_type = #tpu.core_type<sc_vector_subcore>, window_params = [{transform_indices = #map}, {transform_indices = #map1}, {transform_indices = #map}]} {
    %mul3A = arith.constant 2 : i32
    %mul3A_0 = arith.muli %arg1, %mul3A : i32
    %add3A = arith.addi %mul3A_0, %arg0 : i32
    %mul3A_1 = arith.constant 2 : i32
    %mul3A_2 = arith.muli %add3A, %mul3A_1 : i32
    %mul3A_3 = arith.constant 64 : i32
    %mul3A_4 = arith.muli %mul3A_2, %mul3A_3 : i32
    "tpu.region"() ({
      %run_scoped3A = tpu.sem_alloc : memref<!tpu.dma_semaphore, #tpu.memory_space<semaphore_mem>>
      %dma_start3A_9 = tpu.memref_slice %arg3[%mul3A_4] : memref<4096xi32, #tpu.memory_space<hbm>> -> memref<128xi32, #tpu.memory_space<hbm>>
      %dma_start3A_10 = tpu.memref_slice %arg3[%mul3A_4] : memref<4096xi32, #tpu.memory_space<hbm>> -> memref<128xi32, #tpu.memory_space<hbm>>
      tpu.enqueue_dma source(%dma_start3A_10 : memref<128xi32, #tpu.memory_space<hbm>>) target(%arg5 : memref<128xi32, #tpu.memory_space<vmem>>) target_semaphore(%run_scoped3A : memref<!tpu.dma_semaphore, #tpu.memory_space<semaphore_mem>>)
      %dma_wait3A_11 = tpu.memref_slice %arg3[%mul3A_4] : memref<4096xi32, #tpu.memory_space<hbm>> -> memref<128xi32, #tpu.memory_space<hbm>>
      %dma_wait3A_12 = tpu.memref_slice %arg3[%mul3A_4] : memref<4096xi32, #tpu.memory_space<hbm>> -> memref<128xi32, #tpu.memory_space<hbm>>
      tpu.wait_dma2 semaphore(%run_scoped3A : memref<!tpu.dma_semaphore, #tpu.memory_space<semaphore_mem>>) src(%dma_wait3A_12 : memref<128xi32, #tpu.memory_space<hbm>>) dst(%arg5 : memref<128xi32, #tpu.memory_space<vmem>>)
      tpu.yield
    }) : () -> ()
    %dma_start3A = arith.constant 0 : i32
    %dma_start3A_5 = arith.constant 0 : i32
    %dma_start3A_6 = tpu.memref_slice %arg2[%dma_start3A, %dma_start3A_5] : memref<6144x384xi32, #tpu.memory_space<hbm>> -> memref<6144x384xi32, #tpu.memory_space<hbm>>
    tpu.enqueue_indirect_dma source(%dma_start3A_6 : memref<6144x384xi32, #tpu.memory_space<hbm>>) target(%arg6 : memref<128x384xi32, #tpu.memory_space<vmem>>) offsets(%arg5 : memref<128xi32, #tpu.memory_space<vmem>>) semaphore(%arg7 : memref<!tpu.dma_semaphore, #tpu.memory_space<semaphore_mem>>)
    %dma_wait3A = arith.constant 0 : i32
    %dma_wait3A_7 = arith.constant 0 : i32
    %dma_wait3A_8 = tpu.memref_slice %arg2[%dma_wait3A, %dma_wait3A_7] : memref<6144x384xi32, #tpu.memory_space<hbm>> -> memref<6144x384xi32, #tpu.memory_space<hbm>>
    tpu.wait_indirect_dma semaphore(%arg7 : memref<!tpu.dma_semaphore, #tpu.memory_space<semaphore_mem>>) src(%dma_wait3A_8 : memref<6144x384xi32, #tpu.memory_space<hbm>>) dst(%arg6 : memref<128x384xi32, #tpu.memory_space<vmem>>)
    "tpu.region"() ({
      %run_scoped3A = tpu.sem_alloc : memref<!tpu.dma_semaphore, #tpu.memory_space<semaphore_mem>>
      %dma_start3A_9 = arith.constant 0 : i32
      %dma_start3A_10 = tpu.memref_slice %arg4[%mul3A_4, %dma_start3A_9] : memref<4096x384xi32, #tpu.memory_space<hbm>> -> memref<128x384xi32, #tpu.memory_space<hbm>>
      %dma_start3A_11 = arith.constant 0 : i32
      %dma_start3A_12 = tpu.memref_slice %arg4[%mul3A_4, %dma_start3A_11] : memref<4096x384xi32, #tpu.memory_space<hbm>> -> memref<128x384xi32, #tpu.memory_space<hbm>>
      tpu.enqueue_dma source(%arg6 : memref<128x384xi32, #tpu.memory_space<vmem>>) target(%dma_start3A_12 : memref<128x384xi32, #tpu.memory_space<hbm>>) target_semaphore(%run_scoped3A : memref<!tpu.dma_semaphore, #tpu.memory_space<semaphore_mem>>)
      %dma_wait3A_13 = arith.constant 0 : i32
      %dma_wait3A_14 = tpu.memref_slice %arg4[%mul3A_4, %dma_wait3A_13] : memref<4096x384xi32, #tpu.memory_space<hbm>> -> memref<128x384xi32, #tpu.memory_space<hbm>>
      %dma_wait3A_15 = arith.constant 0 : i32
      %dma_wait3A_16 = tpu.memref_slice %arg4[%mul3A_4, %dma_wait3A_15] : memref<4096x384xi32, #tpu.memory_space<hbm>> -> memref<128x384xi32, #tpu.memory_space<hbm>>
      tpu.wait_dma2 semaphore(%run_scoped3A : memref<!tpu.dma_semaphore, #tpu.memory_space<semaphore_mem>>) src(%arg6 : memref<128x384xi32, #tpu.memory_space<vmem>>) dst(%dma_wait3A_16 : memref<128x384xi32, #tpu.memory_space<hbm>>)
      tpu.yield
    }) : () -> ()
    return
  }
}

#map = affine_map<(d0, d1) -> (0, 0)>
#map1 = affine_map<(d0, d1) -> (0)>
module attributes {stable_mosaic.version = 14 : i64} {
  func.func @_dispatch_body(%arg0: i32, %arg1: i32, %arg2: memref<2048x384xi32, #tpu.memory_space<hbm>>, %arg3: memref<4096xi32, #tpu.memory_space<hbm>>, %arg4: memref<4096xf32, #tpu.memory_space<hbm>>, %arg5: memref<6144x384xi32, #tpu.memory_space<hbm>>, %arg6: memref<6144xf32, #tpu.memory_space<hbm>>, %arg7: memref<256xi32, #tpu.memory_space<vmem>>, %arg8: memref<256xf32, #tpu.memory_space<vmem>>, %arg9: memref<256xi32, #tpu.memory_space<vmem>>, %arg10: memref<384xi32, #tpu.memory_space<vmem>>, %arg11: memref<384xf32, #tpu.memory_space<vmem>>, %arg12: memref<192xi32, #tpu.memory_space<vmem>>, %arg13: memref<192x384xi32, #tpu.memory_space<vmem>>, %arg14: memref<6144xi32, #tpu.memory_space<vmem_shared>>, %arg15: memref<6144xf32, #tpu.memory_space<vmem_shared>>, %arg16: memref<!tpu.dma_semaphore, #tpu.memory_space<semaphore_mem>>) attributes {dimension_semantics = [#tpu.dimension_semantics<core_parallel>, #tpu.dimension_semantics<subcore_parallel>], iteration_bounds = array<i64: 2, 16>, scalar_prefetch = 0 : i64, scratch_operands = 10 : i64, tpu.core_type = #tpu.core_type<sc_vector_subcore>, window_params = [{transform_indices = #map}, {transform_indices = #map1}, {transform_indices = #map1}, {transform_indices = #map}, {transform_indices = #map1}]} {
    %mul3A = arith.constant 2 : i32
    %mul3A_0 = arith.muli %arg1, %mul3A : i32
    %add3A = arith.addi %mul3A_0, %arg0 : i32
    %mul3A_1 = arith.constant 256 : i32
    %mul3A_2 = arith.muli %arg1, %mul3A_1 : i32
    "tpu.region"() ({
      %run_scoped3A = tpu.sem_alloc : memref<!tpu.dma_semaphore, #tpu.memory_space<semaphore_mem>>
      %dma_start3A_283 = tpu.memref_slice %arg3[%mul3A_2] : memref<4096xi32, #tpu.memory_space<hbm>> -> memref<256xi32, #tpu.memory_space<hbm>>
      %dma_start3A_284 = tpu.memref_slice %arg3[%mul3A_2] : memref<4096xi32, #tpu.memory_space<hbm>> -> memref<256xi32, #tpu.memory_space<hbm>>
      tpu.enqueue_dma source(%dma_start3A_284 : memref<256xi32, #tpu.memory_space<hbm>>) target(%arg7 : memref<256xi32, #tpu.memory_space<vmem>>) target_semaphore(%run_scoped3A : memref<!tpu.dma_semaphore, #tpu.memory_space<semaphore_mem>>)
      %dma_wait3A_285 = tpu.memref_slice %arg3[%mul3A_2] : memref<4096xi32, #tpu.memory_space<hbm>> -> memref<256xi32, #tpu.memory_space<hbm>>
      %dma_wait3A_286 = tpu.memref_slice %arg3[%mul3A_2] : memref<4096xi32, #tpu.memory_space<hbm>> -> memref<256xi32, #tpu.memory_space<hbm>>
      tpu.wait_dma2 semaphore(%run_scoped3A : memref<!tpu.dma_semaphore, #tpu.memory_space<semaphore_mem>>) src(%dma_wait3A_286 : memref<256xi32, #tpu.memory_space<hbm>>) dst(%arg7 : memref<256xi32, #tpu.memory_space<vmem>>)
      tpu.yield
    }) : () -> ()
    "tpu.region"() ({
      %run_scoped3A = tpu.sem_alloc : memref<!tpu.dma_semaphore, #tpu.memory_space<semaphore_mem>>
      %dma_start3A_283 = tpu.memref_slice %arg4[%mul3A_2] : memref<4096xf32, #tpu.memory_space<hbm>> -> memref<256xf32, #tpu.memory_space<hbm>>
      %dma_start3A_284 = tpu.memref_slice %arg4[%mul3A_2] : memref<4096xf32, #tpu.memory_space<hbm>> -> memref<256xf32, #tpu.memory_space<hbm>>
      tpu.enqueue_dma source(%dma_start3A_284 : memref<256xf32, #tpu.memory_space<hbm>>) target(%arg8 : memref<256xf32, #tpu.memory_space<vmem>>) target_semaphore(%run_scoped3A : memref<!tpu.dma_semaphore, #tpu.memory_space<semaphore_mem>>)
      %dma_wait3A_285 = tpu.memref_slice %arg4[%mul3A_2] : memref<4096xf32, #tpu.memory_space<hbm>> -> memref<256xf32, #tpu.memory_space<hbm>>
      %dma_wait3A_286 = tpu.memref_slice %arg4[%mul3A_2] : memref<4096xf32, #tpu.memory_space<hbm>> -> memref<256xf32, #tpu.memory_space<hbm>>
      tpu.wait_dma2 semaphore(%run_scoped3A : memref<!tpu.dma_semaphore, #tpu.memory_space<semaphore_mem>>) src(%dma_wait3A_286 : memref<256xf32, #tpu.memory_space<hbm>>) dst(%arg8 : memref<256xf32, #tpu.memory_space<vmem>>)
      tpu.yield
    }) : () -> ()
    %broadcast_in_dim3A = arith.constant 0 : i32
    %broadcast_in_dim3A_3 = vector.broadcast %broadcast_in_dim3A : i32 to vector<16xi32>
    %broadcast_in_dim3A_4 = arith.constant 0.000000e+00 : f32
    %broadcast_in_dim3A_5 = vector.broadcast %broadcast_in_dim3A_4 : f32 to vector<16xf32>
    %iota3A = tpu.iota {dimensions = array<i32: 0>} : vector<16xi32>
    %swap3A = arith.constant 0 : index
    %swap3A_6 = tpu.vector_load %arg10[%swap3A] {strides = array<i32>} : memref<384xi32, #tpu.memory_space<vmem>>, vector<16xi32>,
    tpu.vector_store %arg10[%swap3A], %broadcast_in_dim3A_3 {strides = array<i32>} : memref<384xi32, #tpu.memory_space<vmem>>, vector<16xi32>,
    %swap3A_7 = arith.constant 0 : index
    %swap3A_8 = tpu.vector_load %arg11[%swap3A_7] {strides = array<i32>} : memref<384xf32, #tpu.memory_space<vmem>>, vector<16xf32>,
    tpu.vector_store %arg11[%swap3A_7], %broadcast_in_dim3A_5 {strides = array<i32>} : memref<384xf32, #tpu.memory_space<vmem>>, vector<16xf32>,
    %swap3A_9 = arith.constant 16 : index
    %swap3A_10 = tpu.vector_load %arg10[%swap3A_9] {strides = array<i32>} : memref<384xi32, #tpu.memory_space<vmem>>, vector<16xi32>,
    tpu.vector_store %arg10[%swap3A_9], %broadcast_in_dim3A_3 {strides = array<i32>} : memref<384xi32, #tpu.memory_space<vmem>>, vector<16xi32>,
    %swap3A_11 = arith.constant 16 : index
    %swap3A_12 = tpu.vector_load %arg11[%swap3A_11] {strides = array<i32>} : memref<384xf32, #tpu.memory_space<vmem>>, vector<16xf32>,
    tpu.vector_store %arg11[%swap3A_11], %broadcast_in_dim3A_5 {strides = array<i32>} : memref<384xf32, #tpu.memory_space<vmem>>, vector<16xf32>,
    %swap3A_13 = arith.constant 32 : index
    %swap3A_14 = tpu.vector_load %arg10[%swap3A_13] {strides = array<i32>} : memref<384xi32, #tpu.memory_space<vmem>>, vector<16xi32>,
    tpu.vector_store %arg10[%swap3A_13], %broadcast_in_dim3A_3 {strides = array<i32>} : memref<384xi32, #tpu.memory_space<vmem>>, vector<16xi32>,
    %swap3A_15 = arith.constant 32 : index
    %swap3A_16 = tpu.vector_load %arg11[%swap3A_15] {strides = array<i32>} : memref<384xf32, #tpu.memory_space<vmem>>, vector<16xf32>,
    tpu.vector_store %arg11[%swap3A_15], %broadcast_in_dim3A_5 {strides = array<i32>} : memref<384xf32, #tpu.memory_space<vmem>>, vector<16xf32>,
    %swap3A_17 = arith.constant 48 : index
    %swap3A_18 = tpu.vector_load %arg10[%swap3A_17] {strides = array<i32>} : memref<384xi32, #tpu.memory_space<vmem>>, vector<16xi32>,
    tpu.vector_store %arg10[%swap3A_17], %broadcast_in_dim3A_3 {strides = array<i32>} : memref<384xi32, #tpu.memory_space<vmem>>, vector<16xi32>,
    %swap3A_19 = arith.constant 48 : index
    %swap3A_20 = tpu.vector_load %arg11[%swap3A_19] {strides = array<i32>} : memref<384xf32, #tpu.memory_space<vmem>>, vector<16xf32>,
    tpu.vector_store %arg11[%swap3A_19], %broadcast_in_dim3A_5 {strides = array<i32>} : memref<384xf32, #tpu.memory_space<vmem>>, vector<16xf32>,
    %swap3A_21 = arith.constant 64 : index
    %swap3A_22 = tpu.vector_load %arg10[%swap3A_21] {strides = array<i32>} : memref<384xi32, #tpu.memory_space<vmem>>, vector<16xi32>,
    tpu.vector_store %arg10[%swap3A_21], %broadcast_in_dim3A_3 {strides = array<i32>} : memref<384xi32, #tpu.memory_space<vmem>>, vector<16xi32>,
    %swap3A_23 = arith.constant 64 : index
    %swap3A_24 = tpu.vector_load %arg11[%swap3A_23] {strides = array<i32>} : memref<384xf32, #tpu.memory_space<vmem>>, vector<16xf32>,
    tpu.vector_store %arg11[%swap3A_23], %broadcast_in_dim3A_5 {strides = array<i32>} : memref<384xf32, #tpu.memory_space<vmem>>, vector<16xf32>,
    %swap3A_25 = arith.constant 80 : index
    %swap3A_26 = tpu.vector_load %arg10[%swap3A_25] {strides = array<i32>} : memref<384xi32, #tpu.memory_space<vmem>>, vector<16xi32>,
    tpu.vector_store %arg10[%swap3A_25], %broadcast_in_dim3A_3 {strides = array<i32>} : memref<384xi32, #tpu.memory_space<vmem>>, vector<16xi32>,
    %swap3A_27 = arith.constant 80 : index
    %swap3A_28 = tpu.vector_load %arg11[%swap3A_27] {strides = array<i32>} : memref<384xf32, #tpu.memory_space<vmem>>, vector<16xf32>,
    tpu.vector_store %arg11[%swap3A_27], %broadcast_in_dim3A_5 {strides = array<i32>} : memref<384xf32, #tpu.memory_space<vmem>>, vector<16xf32>,
    %swap3A_29 = arith.constant 96 : index
    %swap3A_30 = tpu.vector_load %arg10[%swap3A_29] {strides = array<i32>} : memref<384xi32, #tpu.memory_space<vmem>>, vector<16xi32>,
    tpu.vector_store %arg10[%swap3A_29], %broadcast_in_dim3A_3 {strides = array<i32>} : memref<384xi32, #tpu.memory_space<vmem>>, vector<16xi32>,
    %swap3A_31 = arith.constant 96 : index
    %swap3A_32 = tpu.vector_load %arg11[%swap3A_31] {strides = array<i32>} : memref<384xf32, #tpu.memory_space<vmem>>, vector<16xf32>,
    tpu.vector_store %arg11[%swap3A_31], %broadcast_in_dim3A_5 {strides = array<i32>} : memref<384xf32, #tpu.memory_space<vmem>>, vector<16xf32>,
    %swap3A_33 = arith.constant 112 : index
    %swap3A_34 = tpu.vector_load %arg10[%swap3A_33] {strides = array<i32>} : memref<384xi32, #tpu.memory_space<vmem>>, vector<16xi32>,
    tpu.vector_store %arg10[%swap3A_33], %broadcast_in_dim3A_3 {strides = array<i32>} : memref<384xi32, #tpu.memory_space<vmem>>, vector<16xi32>,
    %swap3A_35 = arith.constant 112 : index
    %swap3A_36 = tpu.vector_load %arg11[%swap3A_35] {strides = array<i32>} : memref<384xf32, #tpu.memory_space<vmem>>, vector<16xf32>,
    tpu.vector_store %arg11[%swap3A_35], %broadcast_in_dim3A_5 {strides = array<i32>} : memref<384xf32, #tpu.memory_space<vmem>>, vector<16xf32>,
    %swap3A_37 = arith.constant 128 : index
    %swap3A_38 = tpu.vector_load %arg10[%swap3A_37] {strides = array<i32>} : memref<384xi32, #tpu.memory_space<vmem>>, vector<16xi32>,
    tpu.vector_store %arg10[%swap3A_37], %broadcast_in_dim3A_3 {strides = array<i32>} : memref<384xi32, #tpu.memory_space<vmem>>, vector<16xi32>,
    %swap3A_39 = arith.constant 128 : index
    %swap3A_40 = tpu.vector_load %arg11[%swap3A_39] {strides = array<i32>} : memref<384xf32, #tpu.memory_space<vmem>>, vector<16xf32>,
    tpu.vector_store %arg11[%swap3A_39], %broadcast_in_dim3A_5 {strides = array<i32>} : memref<384xf32, #tpu.memory_space<vmem>>, vector<16xf32>,
    %swap3A_41 = arith.constant 144 : index
    %swap3A_42 = tpu.vector_load %arg10[%swap3A_41] {strides = array<i32>} : memref<384xi32, #tpu.memory_space<vmem>>, vector<16xi32>,
    tpu.vector_store %arg10[%swap3A_41], %broadcast_in_dim3A_3 {strides = array<i32>} : memref<384xi32, #tpu.memory_space<vmem>>, vector<16xi32>,
    %swap3A_43 = arith.constant 144 : index
    %swap3A_44 = tpu.vector_load %arg11[%swap3A_43] {strides = array<i32>} : memref<384xf32, #tpu.memory_space<vmem>>, vector<16xf32>,
    tpu.vector_store %arg11[%swap3A_43], %broadcast_in_dim3A_5 {strides = array<i32>} : memref<384xf32, #tpu.memory_space<vmem>>, vector<16xf32>,
    %swap3A_45 = arith.constant 160 : index
    %swap3A_46 = tpu.vector_load %arg10[%swap3A_45] {strides = array<i32>} : memref<384xi32, #tpu.memory_space<vmem>>, vector<16xi32>,
    tpu.vector_store %arg10[%swap3A_45], %broadcast_in_dim3A_3 {strides = array<i32>} : memref<384xi32, #tpu.memory_space<vmem>>, vector<16xi32>,
    %swap3A_47 = arith.constant 160 : index
    %swap3A_48 = tpu.vector_load %arg11[%swap3A_47] {strides = array<i32>} : memref<384xf32, #tpu.memory_space<vmem>>, vector<16xf32>,
    tpu.vector_store %arg11[%swap3A_47], %broadcast_in_dim3A_5 {strides = array<i32>} : memref<384xf32, #tpu.memory_space<vmem>>, vector<16xf32>,
    %swap3A_49 = arith.constant 176 : index
    %swap3A_50 = tpu.vector_load %arg10[%swap3A_49] {strides = array<i32>} : memref<384xi32, #tpu.memory_space<vmem>>, vector<16xi32>,
    tpu.vector_store %arg10[%swap3A_49], %broadcast_in_dim3A_3 {strides = array<i32>} : memref<384xi32, #tpu.memory_space<vmem>>, vector<16xi32>,
    %swap3A_51 = arith.constant 176 : index
    %swap3A_52 = tpu.vector_load %arg11[%swap3A_51] {strides = array<i32>} : memref<384xf32, #tpu.memory_space<vmem>>, vector<16xf32>,
    tpu.vector_store %arg11[%swap3A_51], %broadcast_in_dim3A_5 {strides = array<i32>} : memref<384xf32, #tpu.memory_space<vmem>>, vector<16xf32>,
    %swap3A_53 = arith.constant 192 : index
    %swap3A_54 = tpu.vector_load %arg10[%swap3A_53] {strides = array<i32>} : memref<384xi32, #tpu.memory_space<vmem>>, vector<16xi32>,
    tpu.vector_store %arg10[%swap3A_53], %broadcast_in_dim3A_3 {strides = array<i32>} : memref<384xi32, #tpu.memory_space<vmem>>, vector<16xi32>,
    %swap3A_55 = arith.constant 192 : index
    %swap3A_56 = tpu.vector_load %arg11[%swap3A_55] {strides = array<i32>} : memref<384xf32, #tpu.memory_space<vmem>>, vector<16xf32>,
    tpu.vector_store %arg11[%swap3A_55], %broadcast_in_dim3A_5 {strides = array<i32>} : memref<384xf32, #tpu.memory_space<vmem>>, vector<16xf32>,
    %swap3A_57 = arith.constant 208 : index
    %swap3A_58 = tpu.vector_load %arg10[%swap3A_57] {strides = array<i32>} : memref<384xi32, #tpu.memory_space<vmem>>, vector<16xi32>,
    tpu.vector_store %arg10[%swap3A_57], %broadcast_in_dim3A_3 {strides = array<i32>} : memref<384xi32, #tpu.memory_space<vmem>>, vector<16xi32>,
    %swap3A_59 = arith.constant 208 : index
    %swap3A_60 = tpu.vector_load %arg11[%swap3A_59] {strides = array<i32>} : memref<384xf32, #tpu.memory_space<vmem>>, vector<16xf32>,
    tpu.vector_store %arg11[%swap3A_59], %broadcast_in_dim3A_5 {strides = array<i32>} : memref<384xf32, #tpu.memory_space<vmem>>, vector<16xf32>,
    %swap3A_61 = arith.constant 224 : index
    %swap3A_62 = tpu.vector_load %arg10[%swap3A_61] {strides = array<i32>} : memref<384xi32, #tpu.memory_space<vmem>>, vector<16xi32>,
    tpu.vector_store %arg10[%swap3A_61], %broadcast_in_dim3A_3 {strides = array<i32>} : memref<384xi32, #tpu.memory_space<vmem>>, vector<16xi32>,
    %swap3A_63 = arith.constant 224 : index
    %swap3A_64 = tpu.vector_load %arg11[%swap3A_63] {strides = array<i32>} : memref<384xf32, #tpu.memory_space<vmem>>, vector<16xf32>,
    tpu.vector_store %arg11[%swap3A_63], %broadcast_in_dim3A_5 {strides = array<i32>} : memref<384xf32, #tpu.memory_space<vmem>>, vector<16xf32>,
    %swap3A_65 = arith.constant 240 : index
    %swap3A_66 = tpu.vector_load %arg10[%swap3A_65] {strides = array<i32>} : memref<384xi32, #tpu.memory_space<vmem>>, vector<16xi32>,
    tpu.vector_store %arg10[%swap3A_65], %broadcast_in_dim3A_3 {strides = array<i32>} : memref<384xi32, #tpu.memory_space<vmem>>, vector<16xi32>,
    %swap3A_67 = arith.constant 240 : index
    %swap3A_68 = tpu.vector_load %arg11[%swap3A_67] {strides = array<i32>} : memref<384xf32, #tpu.memory_space<vmem>>, vector<16xf32>,
    tpu.vector_store %arg11[%swap3A_67], %broadcast_in_dim3A_5 {strides = array<i32>} : memref<384xf32, #tpu.memory_space<vmem>>, vector<16xf32>,
    %swap3A_69 = arith.constant 256 : index
    %swap3A_70 = tpu.vector_load %arg10[%swap3A_69] {strides = array<i32>} : memref<384xi32, #tpu.memory_space<vmem>>, vector<16xi32>,
    tpu.vector_store %arg10[%swap3A_69], %broadcast_in_dim3A_3 {strides = array<i32>} : memref<384xi32, #tpu.memory_space<vmem>>, vector<16xi32>,
    %swap3A_71 = arith.constant 256 : index
    %swap3A_72 = tpu.vector_load %arg11[%swap3A_71] {strides = array<i32>} : memref<384xf32, #tpu.memory_space<vmem>>, vector<16xf32>,
    tpu.vector_store %arg11[%swap3A_71], %broadcast_in_dim3A_5 {strides = array<i32>} : memref<384xf32, #tpu.memory_space<vmem>>, vector<16xf32>,
    %swap3A_73 = arith.constant 272 : index
    %swap3A_74 = tpu.vector_load %arg10[%swap3A_73] {strides = array<i32>} : memref<384xi32, #tpu.memory_space<vmem>>, vector<16xi32>,
    tpu.vector_store %arg10[%swap3A_73], %broadcast_in_dim3A_3 {strides = array<i32>} : memref<384xi32, #tpu.memory_space<vmem>>, vector<16xi32>,
    %swap3A_75 = arith.constant 272 : index
    %swap3A_76 = tpu.vector_load %arg11[%swap3A_75] {strides = array<i32>} : memref<384xf32, #tpu.memory_space<vmem>>, vector<16xf32>,
    tpu.vector_store %arg11[%swap3A_75], %broadcast_in_dim3A_5 {strides = array<i32>} : memref<384xf32, #tpu.memory_space<vmem>>, vector<16xf32>,
    %swap3A_77 = arith.constant 288 : index
    %swap3A_78 = tpu.vector_load %arg10[%swap3A_77] {strides = array<i32>} : memref<384xi32, #tpu.memory_space<vmem>>, vector<16xi32>,
    tpu.vector_store %arg10[%swap3A_77], %broadcast_in_dim3A_3 {strides = array<i32>} : memref<384xi32, #tpu.memory_space<vmem>>, vector<16xi32>,
    %swap3A_79 = arith.constant 288 : index
    %swap3A_80 = tpu.vector_load %arg11[%swap3A_79] {strides = array<i32>} : memref<384xf32, #tpu.memory_space<vmem>>, vector<16xf32>,
    tpu.vector_store %arg11[%swap3A_79], %broadcast_in_dim3A_5 {strides = array<i32>} : memref<384xf32, #tpu.memory_space<vmem>>, vector<16xf32>,
    %swap3A_81 = arith.constant 304 : index
    %swap3A_82 = tpu.vector_load %arg10[%swap3A_81] {strides = array<i32>} : memref<384xi32, #tpu.memory_space<vmem>>, vector<16xi32>,
    tpu.vector_store %arg10[%swap3A_81], %broadcast_in_dim3A_3 {strides = array<i32>} : memref<384xi32, #tpu.memory_space<vmem>>, vector<16xi32>,
    %swap3A_83 = arith.constant 304 : index
    %swap3A_84 = tpu.vector_load %arg11[%swap3A_83] {strides = array<i32>} : memref<384xf32, #tpu.memory_space<vmem>>, vector<16xf32>,
    tpu.vector_store %arg11[%swap3A_83], %broadcast_in_dim3A_5 {strides = array<i32>} : memref<384xf32, #tpu.memory_space<vmem>>, vector<16xf32>,
    %swap3A_85 = arith.constant 320 : index
    %swap3A_86 = tpu.vector_load %arg10[%swap3A_85] {strides = array<i32>} : memref<384xi32, #tpu.memory_space<vmem>>, vector<16xi32>,
    tpu.vector_store %arg10[%swap3A_85], %broadcast_in_dim3A_3 {strides = array<i32>} : memref<384xi32, #tpu.memory_space<vmem>>, vector<16xi32>,
    %swap3A_87 = arith.constant 320 : index
    %swap3A_88 = tpu.vector_load %arg11[%swap3A_87] {strides = array<i32>} : memref<384xf32, #tpu.memory_space<vmem>>, vector<16xf32>,
    tpu.vector_store %arg11[%swap3A_87], %broadcast_in_dim3A_5 {strides = array<i32>} : memref<384xf32, #tpu.memory_space<vmem>>, vector<16xf32>,
    %swap3A_89 = arith.constant 336 : index
    %swap3A_90 = tpu.vector_load %arg10[%swap3A_89] {strides = array<i32>} : memref<384xi32, #tpu.memory_space<vmem>>, vector<16xi32>,
    tpu.vector_store %arg10[%swap3A_89], %broadcast_in_dim3A_3 {strides = array<i32>} : memref<384xi32, #tpu.memory_space<vmem>>, vector<16xi32>,
    %swap3A_91 = arith.constant 336 : index
    %swap3A_92 = tpu.vector_load %arg11[%swap3A_91] {strides = array<i32>} : memref<384xf32, #tpu.memory_space<vmem>>, vector<16xf32>,
    tpu.vector_store %arg11[%swap3A_91], %broadcast_in_dim3A_5 {strides = array<i32>} : memref<384xf32, #tpu.memory_space<vmem>>, vector<16xf32>,
    %swap3A_93 = arith.constant 352 : index
    %swap3A_94 = tpu.vector_load %arg10[%swap3A_93] {strides = array<i32>} : memref<384xi32, #tpu.memory_space<vmem>>, vector<16xi32>,
    tpu.vector_store %arg10[%swap3A_93], %broadcast_in_dim3A_3 {strides = array<i32>} : memref<384xi32, #tpu.memory_space<vmem>>, vector<16xi32>,
    %swap3A_95 = arith.constant 352 : index
    %swap3A_96 = tpu.vector_load %arg11[%swap3A_95] {strides = array<i32>} : memref<384xf32, #tpu.memory_space<vmem>>, vector<16xf32>,
    tpu.vector_store %arg11[%swap3A_95], %broadcast_in_dim3A_5 {strides = array<i32>} : memref<384xf32, #tpu.memory_space<vmem>>, vector<16xf32>,
    %swap3A_97 = arith.constant 368 : index
    %swap3A_98 = tpu.vector_load %arg10[%swap3A_97] {strides = array<i32>} : memref<384xi32, #tpu.memory_space<vmem>>, vector<16xi32>,
    tpu.vector_store %arg10[%swap3A_97], %broadcast_in_dim3A_3 {strides = array<i32>} : memref<384xi32, #tpu.memory_space<vmem>>, vector<16xi32>,
    %swap3A_99 = arith.constant 368 : index
    %swap3A_100 = tpu.vector_load %arg11[%swap3A_99] {strides = array<i32>} : memref<384xf32, #tpu.memory_space<vmem>>, vector<16xf32>,
    tpu.vector_store %arg11[%swap3A_99], %broadcast_in_dim3A_5 {strides = array<i32>} : memref<384xf32, #tpu.memory_space<vmem>>, vector<16xf32>,
    %add3A_101 = arith.constant 0 : i32
    %add3A_102 = arith.addi %mul3A_2, %add3A_101 : i32
    %add3A_103 = vector.broadcast %add3A_102 : i32 to vector<16xi32>
    %add3A_104 = arith.addi %add3A_103, %iota3A : vector<16xi32>
    %shift_right_logical3A = arith.constant 1 : i32
    %shift_right_logical3A_105 = vector.broadcast %shift_right_logical3A : i32 to vector<16xi32>
    %shift_right_logical3A_106 = arith.shrui %add3A_104, %shift_right_logical3A_105 : vector<16xi32>
    %swap3A_107 = arith.constant 0 : index
    %swap3A_108 = tpu.vector_load %arg9[%swap3A_107] {strides = array<i32>} : memref<256xi32, #tpu.memory_space<vmem>>, vector<16xi32>,
    tpu.vector_store %arg9[%swap3A_107], %shift_right_logical3A_106 {strides = array<i32>} : memref<256xi32, #tpu.memory_space<vmem>>, vector<16xi32>,
    %add3A_109 = arith.constant 16 : i32
    %add3A_110 = arith.addi %mul3A_2, %add3A_109 : i32
    %add3A_111 = vector.broadcast %add3A_110 : i32 to vector<16xi32>
    %add3A_112 = arith.addi %add3A_111, %iota3A : vector<16xi32>
    %shift_right_logical3A_113 = arith.constant 1 : i32
    %shift_right_logical3A_114 = vector.broadcast %shift_right_logical3A_113 : i32 to vector<16xi32>
    %shift_right_logical3A_115 = arith.shrui %add3A_112, %shift_right_logical3A_114 : vector<16xi32>
    %swap3A_116 = arith.constant 16 : index
    %swap3A_117 = tpu.vector_load %arg9[%swap3A_116] {strides = array<i32>} : memref<256xi32, #tpu.memory_space<vmem>>, vector<16xi32>,
    tpu.vector_store %arg9[%swap3A_116], %shift_right_logical3A_115 {strides = array<i32>} : memref<256xi32, #tpu.memory_space<vmem>>, vector<16xi32>,
    %add3A_118 = arith.constant 32 : i32
    %add3A_119 = arith.addi %mul3A_2, %add3A_118 : i32
    %add3A_120 = vector.broadcast %add3A_119 : i32 to vector<16xi32>
    %add3A_121 = arith.addi %add3A_120, %iota3A : vector<16xi32>
    %shift_right_logical3A_122 = arith.constant 1 : i32
    %shift_right_logical3A_123 = vector.broadcast %shift_right_logical3A_122 : i32 to vector<16xi32>
    %shift_right_logical3A_124 = arith.shrui %add3A_121, %shift_right_logical3A_123 : vector<16xi32>
    %swap3A_125 = arith.constant 32 : index
    %swap3A_126 = tpu.vector_load %arg9[%swap3A_125] {strides = array<i32>} : memref<256xi32, #tpu.memory_space<vmem>>, vector<16xi32>,
    tpu.vector_store %arg9[%swap3A_125], %shift_right_logical3A_124 {strides = array<i32>} : memref<256xi32, #tpu.memory_space<vmem>>, vector<16xi32>,
    %add3A_127 = arith.constant 48 : i32
    %add3A_128 = arith.addi %mul3A_2, %add3A_127 : i32
    %add3A_129 = vector.broadcast %add3A_128 : i32 to vector<16xi32>
    %add3A_130 = arith.addi %add3A_129, %iota3A : vector<16xi32>
    %shift_right_logical3A_131 = arith.constant 1 : i32
    %shift_right_logical3A_132 = vector.broadcast %shift_right_logical3A_131 : i32 to vector<16xi32>
    %shift_right_logical3A_133 = arith.shrui %add3A_130, %shift_right_logical3A_132 : vector<16xi32>
    %swap3A_134 = arith.constant 48 : index
    %swap3A_135 = tpu.vector_load %arg9[%swap3A_134] {strides = array<i32>} : memref<256xi32, #tpu.memory_space<vmem>>, vector<16xi32>,
    tpu.vector_store %arg9[%swap3A_134], %shift_right_logical3A_133 {strides = array<i32>} : memref<256xi32, #tpu.memory_space<vmem>>, vector<16xi32>,
    %add3A_136 = arith.constant 64 : i32
    %add3A_137 = arith.addi %mul3A_2, %add3A_136 : i32
    %add3A_138 = vector.broadcast %add3A_137 : i32 to vector<16xi32>
    %add3A_139 = arith.addi %add3A_138, %iota3A : vector<16xi32>
    %shift_right_logical3A_140 = arith.constant 1 : i32
    %shift_right_logical3A_141 = vector.broadcast %shift_right_logical3A_140 : i32 to vector<16xi32>
    %shift_right_logical3A_142 = arith.shrui %add3A_139, %shift_right_logical3A_141 : vector<16xi32>
    %swap3A_143 = arith.constant 64 : index
    %swap3A_144 = tpu.vector_load %arg9[%swap3A_143] {strides = array<i32>} : memref<256xi32, #tpu.memory_space<vmem>>, vector<16xi32>,
    tpu.vector_store %arg9[%swap3A_143], %shift_right_logical3A_142 {strides = array<i32>} : memref<256xi32, #tpu.memory_space<vmem>>, vector<16xi32>,
    %add3A_145 = arith.constant 80 : i32
    %add3A_146 = arith.addi %mul3A_2, %add3A_145 : i32
    %add3A_147 = vector.broadcast %add3A_146 : i32 to vector<16xi32>
    %add3A_148 = arith.addi %add3A_147, %iota3A : vector<16xi32>
    %shift_right_logical3A_149 = arith.constant 1 : i32
    %shift_right_logical3A_150 = vector.broadcast %shift_right_logical3A_149 : i32 to vector<16xi32>
    %shift_right_logical3A_151 = arith.shrui %add3A_148, %shift_right_logical3A_150 : vector<16xi32>
    %swap3A_152 = arith.constant 80 : index
    %swap3A_153 = tpu.vector_load %arg9[%swap3A_152] {strides = array<i32>} : memref<256xi32, #tpu.memory_space<vmem>>, vector<16xi32>,
    tpu.vector_store %arg9[%swap3A_152], %shift_right_logical3A_151 {strides = array<i32>} : memref<256xi32, #tpu.memory_space<vmem>>, vector<16xi32>,
    %add3A_154 = arith.constant 96 : i32
    %add3A_155 = arith.addi %mul3A_2, %add3A_154 : i32
    %add3A_156 = vector.broadcast %add3A_155 : i32 to vector<16xi32>
    %add3A_157 = arith.addi %add3A_156, %iota3A : vector<16xi32>
    %shift_right_logical3A_158 = arith.constant 1 : i32
    %shift_right_logical3A_159 = vector.broadcast %shift_right_logical3A_158 : i32 to vector<16xi32>
    %shift_right_logical3A_160 = arith.shrui %add3A_157, %shift_right_logical3A_159 : vector<16xi32>
    %swap3A_161 = arith.constant 96 : index
    %swap3A_162 = tpu.vector_load %arg9[%swap3A_161] {strides = array<i32>} : memref<256xi32, #tpu.memory_space<vmem>>, vector<16xi32>,
    tpu.vector_store %arg9[%swap3A_161], %shift_right_logical3A_160 {strides = array<i32>} : memref<256xi32, #tpu.memory_space<vmem>>, vector<16xi32>,
    %add3A_163 = arith.constant 112 : i32
    %add3A_164 = arith.addi %mul3A_2, %add3A_163 : i32
    %add3A_165 = vector.broadcast %add3A_164 : i32 to vector<16xi32>
    %add3A_166 = arith.addi %add3A_165, %iota3A : vector<16xi32>
    %shift_right_logical3A_167 = arith.constant 1 : i32
    %shift_right_logical3A_168 = vector.broadcast %shift_right_logical3A_167 : i32 to vector<16xi32>
    %shift_right_logical3A_169 = arith.shrui %add3A_166, %shift_right_logical3A_168 : vector<16xi32>
    %swap3A_170 = arith.constant 112 : index
    %swap3A_171 = tpu.vector_load %arg9[%swap3A_170] {strides = array<i32>} : memref<256xi32, #tpu.memory_space<vmem>>, vector<16xi32>,
    tpu.vector_store %arg9[%swap3A_170], %shift_right_logical3A_169 {strides = array<i32>} : memref<256xi32, #tpu.memory_space<vmem>>, vector<16xi32>,
    %add3A_172 = arith.constant 128 : i32
    %add3A_173 = arith.addi %mul3A_2, %add3A_172 : i32
    %add3A_174 = vector.broadcast %add3A_173 : i32 to vector<16xi32>
    %add3A_175 = arith.addi %add3A_174, %iota3A : vector<16xi32>
    %shift_right_logical3A_176 = arith.constant 1 : i32
    %shift_right_logical3A_177 = vector.broadcast %shift_right_logical3A_176 : i32 to vector<16xi32>
    %shift_right_logical3A_178 = arith.shrui %add3A_175, %shift_right_logical3A_177 : vector<16xi32>
    %swap3A_179 = arith.constant 128 : index
    %swap3A_180 = tpu.vector_load %arg9[%swap3A_179] {strides = array<i32>} : memref<256xi32, #tpu.memory_space<vmem>>, vector<16xi32>,
    tpu.vector_store %arg9[%swap3A_179], %shift_right_logical3A_178 {strides = array<i32>} : memref<256xi32, #tpu.memory_space<vmem>>, vector<16xi32>,
    %add3A_181 = arith.constant 144 : i32
    %add3A_182 = arith.addi %mul3A_2, %add3A_181 : i32
    %add3A_183 = vector.broadcast %add3A_182 : i32 to vector<16xi32>
    %add3A_184 = arith.addi %add3A_183, %iota3A : vector<16xi32>
    %shift_right_logical3A_185 = arith.constant 1 : i32
    %shift_right_logical3A_186 = vector.broadcast %shift_right_logical3A_185 : i32 to vector<16xi32>
    %shift_right_logical3A_187 = arith.shrui %add3A_184, %shift_right_logical3A_186 : vector<16xi32>
    %swap3A_188 = arith.constant 144 : index
    %swap3A_189 = tpu.vector_load %arg9[%swap3A_188] {strides = array<i32>} : memref<256xi32, #tpu.memory_space<vmem>>, vector<16xi32>,
    tpu.vector_store %arg9[%swap3A_188], %shift_right_logical3A_187 {strides = array<i32>} : memref<256xi32, #tpu.memory_space<vmem>>, vector<16xi32>,
    %add3A_190 = arith.constant 160 : i32
    %add3A_191 = arith.addi %mul3A_2, %add3A_190 : i32
    %add3A_192 = vector.broadcast %add3A_191 : i32 to vector<16xi32>
    %add3A_193 = arith.addi %add3A_192, %iota3A : vector<16xi32>
    %shift_right_logical3A_194 = arith.constant 1 : i32
    %shift_right_logical3A_195 = vector.broadcast %shift_right_logical3A_194 : i32 to vector<16xi32>
    %shift_right_logical3A_196 = arith.shrui %add3A_193, %shift_right_logical3A_195 : vector<16xi32>
    %swap3A_197 = arith.constant 160 : index
    %swap3A_198 = tpu.vector_load %arg9[%swap3A_197] {strides = array<i32>} : memref<256xi32, #tpu.memory_space<vmem>>, vector<16xi32>,
    tpu.vector_store %arg9[%swap3A_197], %shift_right_logical3A_196 {strides = array<i32>} : memref<256xi32, #tpu.memory_space<vmem>>, vector<16xi32>,
    %add3A_199 = arith.constant 176 : i32
    %add3A_200 = arith.addi %mul3A_2, %add3A_199 : i32
    %add3A_201 = vector.broadcast %add3A_200 : i32 to vector<16xi32>
    %add3A_202 = arith.addi %add3A_201, %iota3A : vector<16xi32>
    %shift_right_logical3A_203 = arith.constant 1 : i32
    %shift_right_logical3A_204 = vector.broadcast %shift_right_logical3A_203 : i32 to vector<16xi32>
    %shift_right_logical3A_205 = arith.shrui %add3A_202, %shift_right_logical3A_204 : vector<16xi32>
    %swap3A_206 = arith.constant 176 : index
    %swap3A_207 = tpu.vector_load %arg9[%swap3A_206] {strides = array<i32>} : memref<256xi32, #tpu.memory_space<vmem>>, vector<16xi32>,
    tpu.vector_store %arg9[%swap3A_206], %shift_right_logical3A_205 {strides = array<i32>} : memref<256xi32, #tpu.memory_space<vmem>>, vector<16xi32>,
    %add3A_208 = arith.constant 192 : i32
    %add3A_209 = arith.addi %mul3A_2, %add3A_208 : i32
    %add3A_210 = vector.broadcast %add3A_209 : i32 to vector<16xi32>
    %add3A_211 = arith.addi %add3A_210, %iota3A : vector<16xi32>
    %shift_right_logical3A_212 = arith.constant 1 : i32
    %shift_right_logical3A_213 = vector.broadcast %shift_right_logical3A_212 : i32 to vector<16xi32>
    %shift_right_logical3A_214 = arith.shrui %add3A_211, %shift_right_logical3A_213 : vector<16xi32>
    %swap3A_215 = arith.constant 192 : index
    %swap3A_216 = tpu.vector_load %arg9[%swap3A_215] {strides = array<i32>} : memref<256xi32, #tpu.memory_space<vmem>>, vector<16xi32>,
    tpu.vector_store %arg9[%swap3A_215], %shift_right_logical3A_214 {strides = array<i32>} : memref<256xi32, #tpu.memory_space<vmem>>, vector<16xi32>,
    %add3A_217 = arith.constant 208 : i32
    %add3A_218 = arith.addi %mul3A_2, %add3A_217 : i32
    %add3A_219 = vector.broadcast %add3A_218 : i32 to vector<16xi32>
    %add3A_220 = arith.addi %add3A_219, %iota3A : vector<16xi32>
    %shift_right_logical3A_221 = arith.constant 1 : i32
    %shift_right_logical3A_222 = vector.broadcast %shift_right_logical3A_221 : i32 to vector<16xi32>
    %shift_right_logical3A_223 = arith.shrui %add3A_220, %shift_right_logical3A_222 : vector<16xi32>
    %swap3A_224 = arith.constant 208 : index
    %swap3A_225 = tpu.vector_load %arg9[%swap3A_224] {strides = array<i32>} : memref<256xi32, #tpu.memory_space<vmem>>, vector<16xi32>,
    tpu.vector_store %arg9[%swap3A_224], %shift_right_logical3A_223 {strides = array<i32>} : memref<256xi32, #tpu.memory_space<vmem>>, vector<16xi32>,
    %add3A_226 = arith.constant 224 : i32
    %add3A_227 = arith.addi %mul3A_2, %add3A_226 : i32
    %add3A_228 = vector.broadcast %add3A_227 : i32 to vector<16xi32>
    %add3A_229 = arith.addi %add3A_228, %iota3A : vector<16xi32>
    %shift_right_logical3A_230 = arith.constant 1 : i32
    %shift_right_logical3A_231 = vector.broadcast %shift_right_logical3A_230 : i32 to vector<16xi32>
    %shift_right_logical3A_232 = arith.shrui %add3A_229, %shift_right_logical3A_231 : vector<16xi32>
    %swap3A_233 = arith.constant 224 : index
    %swap3A_234 = tpu.vector_load %arg9[%swap3A_233] {strides = array<i32>} : memref<256xi32, #tpu.memory_space<vmem>>, vector<16xi32>,
    tpu.vector_store %arg9[%swap3A_233], %shift_right_logical3A_232 {strides = array<i32>} : memref<256xi32, #tpu.memory_space<vmem>>, vector<16xi32>,
    %add3A_235 = arith.constant 240 : i32
    %add3A_236 = arith.addi %mul3A_2, %add3A_235 : i32
    %add3A_237 = vector.broadcast %add3A_236 : i32 to vector<16xi32>
    %add3A_238 = arith.addi %add3A_237, %iota3A : vector<16xi32>
    %shift_right_logical3A_239 = arith.constant 1 : i32
    %shift_right_logical3A_240 = vector.broadcast %shift_right_logical3A_239 : i32 to vector<16xi32>
    %shift_right_logical3A_241 = arith.shrui %add3A_238, %shift_right_logical3A_240 : vector<16xi32>
    %swap3A_242 = arith.constant 240 : index
    %swap3A_243 = tpu.vector_load %arg9[%swap3A_242] {strides = array<i32>} : memref<256xi32, #tpu.memory_space<vmem>>, vector<16xi32>,
    tpu.vector_store %arg9[%swap3A_242], %shift_right_logical3A_241 {strides = array<i32>} : memref<256xi32, #tpu.memory_space<vmem>>, vector<16xi32>,
    %mul3A_244 = arith.constant 384 : i32
    %mul3A_245 = arith.muli %arg1, %mul3A_244 : i32
    "tpu.region"() ({
      %run_scoped3A = tpu.sem_alloc : memref<!tpu.dma_semaphore, #tpu.memory_space<semaphore_mem>>
      %dma_start3A_283 = tpu.memref_slice %arg14[%mul3A_245] : memref<6144xi32, #tpu.memory_space<vmem_shared>> -> memref<384xi32, #tpu.memory_space<vmem_shared>>
      %dma_start3A_284 = tpu.memref_slice %arg14[%mul3A_245] : memref<6144xi32, #tpu.memory_space<vmem_shared>> -> memref<384xi32, #tpu.memory_space<vmem_shared>>
      tpu.enqueue_dma source(%arg10 : memref<384xi32, #tpu.memory_space<vmem>>) target(%dma_start3A_284 : memref<384xi32, #tpu.memory_space<vmem_shared>>) target_semaphore(%run_scoped3A : memref<!tpu.dma_semaphore, #tpu.memory_space<semaphore_mem>>)
      %dma_wait3A_285 = tpu.memref_slice %arg14[%mul3A_245] : memref<6144xi32, #tpu.memory_space<vmem_shared>> -> memref<384xi32, #tpu.memory_space<vmem_shared>>
      %dma_wait3A_286 = tpu.memref_slice %arg14[%mul3A_245] : memref<6144xi32, #tpu.memory_space<vmem_shared>> -> memref<384xi32, #tpu.memory_space<vmem_shared>>
      tpu.wait_dma2 semaphore(%run_scoped3A : memref<!tpu.dma_semaphore, #tpu.memory_space<semaphore_mem>>) src(%arg10 : memref<384xi32, #tpu.memory_space<vmem>>) dst(%dma_wait3A_286 : memref<384xi32, #tpu.memory_space<vmem_shared>>)
      tpu.yield
    }) : () -> ()
    %mul3A_246 = arith.constant 384 : i32
    %mul3A_247 = arith.muli %arg1, %mul3A_246 : i32
    "tpu.region"() ({
      %run_scoped3A = tpu.sem_alloc : memref<!tpu.dma_semaphore, #tpu.memory_space<semaphore_mem>>
      %dma_start3A_283 = tpu.memref_slice %arg15[%mul3A_247] : memref<6144xf32, #tpu.memory_space<vmem_shared>> -> memref<384xf32, #tpu.memory_space<vmem_shared>>
      %dma_start3A_284 = tpu.memref_slice %arg15[%mul3A_247] : memref<6144xf32, #tpu.memory_space<vmem_shared>> -> memref<384xf32, #tpu.memory_space<vmem_shared>>
      tpu.enqueue_dma source(%arg11 : memref<384xf32, #tpu.memory_space<vmem>>) target(%dma_start3A_284 : memref<384xf32, #tpu.memory_space<vmem_shared>>) target_semaphore(%run_scoped3A : memref<!tpu.dma_semaphore, #tpu.memory_space<semaphore_mem>>)
      %dma_wait3A_285 = tpu.memref_slice %arg15[%mul3A_247] : memref<6144xf32, #tpu.memory_space<vmem_shared>> -> memref<384xf32, #tpu.memory_space<vmem_shared>>
      %dma_wait3A_286 = tpu.memref_slice %arg15[%mul3A_247] : memref<6144xf32, #tpu.memory_space<vmem_shared>> -> memref<384xf32, #tpu.memory_space<vmem_shared>>
      tpu.wait_dma2 semaphore(%run_scoped3A : memref<!tpu.dma_semaphore, #tpu.memory_space<semaphore_mem>>) src(%arg11 : memref<384xf32, #tpu.memory_space<vmem>>) dst(%dma_wait3A_286 : memref<384xf32, #tpu.memory_space<vmem_shared>>)
      tpu.yield
    }) : () -> ()
    %barrier3A = arith.constant 0 : index
    tpu.barrier barrier_id(%barrier3A)
    "tpu.region"() ({
      %run_scoped3A = tpu.sem_alloc : memref<!tpu.dma_semaphore, #tpu.memory_space<semaphore_mem>>
      %dma_start3A_283 = arith.constant 0 : i32
      %dma_start3A_284 = tpu.memref_slice %arg14[%dma_start3A_283] : memref<6144xi32, #tpu.memory_space<vmem_shared>> -> memref<6144xi32, #tpu.memory_space<vmem_shared>>
      tpu.enqueue_indirect_dma source(%arg9 : memref<256xi32, #tpu.memory_space<vmem>>) target(%dma_start3A_284 : memref<6144xi32, #tpu.memory_space<vmem_shared>>) offsets(%arg7 : memref<256xi32, #tpu.memory_space<vmem>>) semaphore(%run_scoped3A : memref<!tpu.dma_semaphore, #tpu.memory_space<semaphore_mem>>)
      %dma_wait3A_285 = arith.constant 0 : i32
      %dma_wait3A_286 = tpu.memref_slice %arg14[%dma_wait3A_285] : memref<6144xi32, #tpu.memory_space<vmem_shared>> -> memref<6144xi32, #tpu.memory_space<vmem_shared>>
      tpu.wait_indirect_dma semaphore(%run_scoped3A : memref<!tpu.dma_semaphore, #tpu.memory_space<semaphore_mem>>) src(%arg9 : memref<256xi32, #tpu.memory_space<vmem>>) dst(%dma_wait3A_286 : memref<6144xi32, #tpu.memory_space<vmem_shared>>)
      tpu.yield
    }) : () -> ()
    "tpu.region"() ({
      %run_scoped3A = tpu.sem_alloc : memref<!tpu.dma_semaphore, #tpu.memory_space<semaphore_mem>>
      %dma_start3A_283 = arith.constant 0 : i32
      %dma_start3A_284 = tpu.memref_slice %arg15[%dma_start3A_283] : memref<6144xf32, #tpu.memory_space<vmem_shared>> -> memref<6144xf32, #tpu.memory_space<vmem_shared>>
      tpu.enqueue_indirect_dma source(%arg8 : memref<256xf32, #tpu.memory_space<vmem>>) target(%dma_start3A_284 : memref<6144xf32, #tpu.memory_space<vmem_shared>>) offsets(%arg7 : memref<256xi32, #tpu.memory_space<vmem>>) semaphore(%run_scoped3A : memref<!tpu.dma_semaphore, #tpu.memory_space<semaphore_mem>>)
      %dma_wait3A_285 = arith.constant 0 : i32
      %dma_wait3A_286 = tpu.memref_slice %arg15[%dma_wait3A_285] : memref<6144xf32, #tpu.memory_space<vmem_shared>> -> memref<6144xf32, #tpu.memory_space<vmem_shared>>
      tpu.wait_indirect_dma semaphore(%run_scoped3A : memref<!tpu.dma_semaphore, #tpu.memory_space<semaphore_mem>>) src(%arg8 : memref<256xf32, #tpu.memory_space<vmem>>) dst(%dma_wait3A_286 : memref<6144xf32, #tpu.memory_space<vmem_shared>>)
      tpu.yield
    }) : () -> ()
    %barrier3A_248 = arith.constant 0 : index
    tpu.barrier barrier_id(%barrier3A_248)
    %eq3A = arith.constant 0 : i32
    %eq3A_249 = arith.cmpi eq, %add3A, %eq3A : i32
    %convert_element_type3A = arith.extui %eq3A_249 : i1 to i32
    %cond3A = arith.constant 0 : i32
    %cond3A_250 = arith.cmpi ne, %convert_element_type3A, %cond3A : i32
    scf.if %cond3A_250 {
      "tpu.region"() ({
        %run_scoped3A = tpu.sem_alloc : memref<!tpu.dma_semaphore, #tpu.memory_space<semaphore_mem>>
        tpu.enqueue_dma source(%arg15 : memref<6144xf32, #tpu.memory_space<vmem_shared>>) target(%arg6 : memref<6144xf32, #tpu.memory_space<hbm>>) target_semaphore(%run_scoped3A : memref<!tpu.dma_semaphore, #tpu.memory_space<semaphore_mem>>)
        tpu.wait_dma2 semaphore(%run_scoped3A : memref<!tpu.dma_semaphore, #tpu.memory_space<semaphore_mem>>) src(%arg15 : memref<6144xf32, #tpu.memory_space<vmem_shared>>) dst(%arg6 : memref<6144xf32, #tpu.memory_space<hbm>>)
        tpu.yield
      }) : () -> ()
    } else {
    }
    %mul3A_251 = arith.constant 192 : i32
    %mul3A_252 = arith.muli %add3A, %mul3A_251 : i32
    "tpu.region"() ({
      %run_scoped3A = tpu.sem_alloc : memref<!tpu.dma_semaphore, #tpu.memory_space<semaphore_mem>>
      %dma_start3A_283 = tpu.memref_slice %arg14[%mul3A_252] : memref<6144xi32, #tpu.memory_space<vmem_shared>> -> memref<192xi32, #tpu.memory_space<vmem_shared>>
      %dma_start3A_284 = tpu.memref_slice %arg14[%mul3A_252] : memref<6144xi32, #tpu.memory_space<vmem_shared>> -> memref<192xi32, #tpu.memory_space<vmem_shared>>
      tpu.enqueue_dma source(%dma_start3A_284 : memref<192xi32, #tpu.memory_space<vmem_shared>>) target(%arg12 : memref<192xi32, #tpu.memory_space<vmem>>) target_semaphore(%run_scoped3A : memref<!tpu.dma_semaphore, #tpu.memory_space<semaphore_mem>>)
      %dma_wait3A_285 = tpu.memref_slice %arg14[%mul3A_252] : memref<6144xi32, #tpu.memory_space<vmem_shared>> -> memref<192xi32, #tpu.memory_space<vmem_shared>>
      %dma_wait3A_286 = tpu.memref_slice %arg14[%mul3A_252] : memref<6144xi32, #tpu.memory_space<vmem_shared>> -> memref<192xi32, #tpu.memory_space<vmem_shared>>
      tpu.wait_dma2 semaphore(%run_scoped3A : memref<!tpu.dma_semaphore, #tpu.memory_space<semaphore_mem>>) src(%dma_wait3A_286 : memref<192xi32, #tpu.memory_space<vmem_shared>>) dst(%arg12 : memref<192xi32, #tpu.memory_space<vmem>>)
      tpu.yield
    }) : () -> ()
    %dma_start3A = arith.constant 0 : i32
    %dma_start3A_253 = arith.constant 0 : i32
    %dma_start3A_254 = tpu.memref_slice %arg13[%dma_start3A, %dma_start3A_253] : memref<192x384xi32, #tpu.memory_space<vmem>> -> memref<96x384xi32, #tpu.memory_space<vmem>>
    %dma_start3A_255 = arith.constant 0 : i32
    %dma_start3A_256 = tpu.memref_slice %arg12[%dma_start3A_255] : memref<192xi32, #tpu.memory_space<vmem>> -> memref<96xi32, #tpu.memory_space<vmem>>
    %dma_start3A_257 = arith.constant 0 : i32
    %dma_start3A_258 = arith.constant 0 : i32
    %dma_start3A_259 = tpu.memref_slice %arg2[%dma_start3A_257, %dma_start3A_258] : memref<2048x384xi32, #tpu.memory_space<hbm>> -> memref<2048x384xi32, #tpu.memory_space<hbm>>
    tpu.enqueue_indirect_dma source(%dma_start3A_259 : memref<2048x384xi32, #tpu.memory_space<hbm>>) target(%dma_start3A_254 : memref<96x384xi32, #tpu.memory_space<vmem>>) offsets(%dma_start3A_256 : memref<96xi32, #tpu.memory_space<vmem>>) semaphore(%arg16 : memref<!tpu.dma_semaphore, #tpu.memory_space<semaphore_mem>>)
    %dma_start3A_260 = arith.constant 96 : i32
    %dma_start3A_261 = arith.constant 0 : i32
    %dma_start3A_262 = tpu.memref_slice %arg13[%dma_start3A_260, %dma_start3A_261] : memref<192x384xi32, #tpu.memory_space<vmem>> -> memref<96x384xi32, #tpu.memory_space<vmem>>
    %dma_start3A_263 = arith.constant 96 : i32
    %dma_start3A_264 = tpu.memref_slice %arg12[%dma_start3A_263] : memref<192xi32, #tpu.memory_space<vmem>> -> memref<96xi32, #tpu.memory_space<vmem>>
    %dma_start3A_265 = arith.constant 0 : i32
    %dma_start3A_266 = arith.constant 0 : i32
    %dma_start3A_267 = tpu.memref_slice %arg2[%dma_start3A_265, %dma_start3A_266] : memref<2048x384xi32, #tpu.memory_space<hbm>> -> memref<2048x384xi32, #tpu.memory_space<hbm>>
    tpu.enqueue_indirect_dma source(%dma_start3A_267 : memref<2048x384xi32, #tpu.memory_space<hbm>>) target(%dma_start3A_262 : memref<96x384xi32, #tpu.memory_space<vmem>>) offsets(%dma_start3A_264 : memref<96xi32, #tpu.memory_space<vmem>>) semaphore(%arg16 : memref<!tpu.dma_semaphore, #tpu.memory_space<semaphore_mem>>)
    %dma_wait3A = arith.constant 0 : i32
    %dma_wait3A_268 = arith.constant 0 : i32
    %dma_wait3A_269 = tpu.memref_slice %arg13[%dma_wait3A, %dma_wait3A_268] : memref<192x384xi32, #tpu.memory_space<vmem>> -> memref<96x384xi32, #tpu.memory_space<vmem>>
    %dma_wait3A_270 = arith.constant 0 : i32
    %dma_wait3A_271 = tpu.memref_slice %arg12[%dma_wait3A_270] : memref<192xi32, #tpu.memory_space<vmem>> -> memref<96xi32, #tpu.memory_space<vmem>>
    %dma_wait3A_272 = arith.constant 0 : i32
    %dma_wait3A_273 = arith.constant 0 : i32
    %dma_wait3A_274 = tpu.memref_slice %arg2[%dma_wait3A_272, %dma_wait3A_273] : memref<2048x384xi32, #tpu.memory_space<hbm>> -> memref<2048x384xi32, #tpu.memory_space<hbm>>
    tpu.wait_indirect_dma semaphore(%arg16 : memref<!tpu.dma_semaphore, #tpu.memory_space<semaphore_mem>>) src(%dma_wait3A_274 : memref<2048x384xi32, #tpu.memory_space<hbm>>) dst(%dma_wait3A_269 : memref<96x384xi32, #tpu.memory_space<vmem>>)
    %dma_wait3A_275 = arith.constant 96 : i32
    %dma_wait3A_276 = arith.constant 0 : i32
    %dma_wait3A_277 = tpu.memref_slice %arg13[%dma_wait3A_275, %dma_wait3A_276] : memref<192x384xi32, #tpu.memory_space<vmem>> -> memref<96x384xi32, #tpu.memory_space<vmem>>
    %dma_wait3A_278 = arith.constant 96 : i32
    %dma_wait3A_279 = tpu.memref_slice %arg12[%dma_wait3A_278] : memref<192xi32, #tpu.memory_space<vmem>> -> memref<96xi32, #tpu.memory_space<vmem>>
    %dma_wait3A_280 = arith.constant 0 : i32
    %dma_wait3A_281 = arith.constant 0 : i32
    %dma_wait3A_282 = tpu.memref_slice %arg2[%dma_wait3A_280, %dma_wait3A_281] : memref<2048x384xi32, #tpu.memory_space<hbm>> -> memref<2048x384xi32, #tpu.memory_space<hbm>>
    tpu.wait_indirect_dma semaphore(%arg16 : memref<!tpu.dma_semaphore, #tpu.memory_space<semaphore_mem>>) src(%dma_wait3A_282 : memref<2048x384xi32, #tpu.memory_space<hbm>>) dst(%dma_wait3A_277 : memref<96x384xi32, #tpu.memory_space<vmem>>)
    "tpu.region"() ({
      %run_scoped3A = tpu.sem_alloc : memref<!tpu.dma_semaphore, #tpu.memory_space<semaphore_mem>>
      %dma_start3A_283 = arith.constant 0 : i32
      %dma_start3A_284 = tpu.memref_slice %arg5[%mul3A_252, %dma_start3A_283] : memref<6144x384xi32, #tpu.memory_space<hbm>> -> memref<192x384xi32, #tpu.memory_space<hbm>>
      %dma_start3A_285 = arith.constant 0 : i32
      %dma_start3A_286 = tpu.memref_slice %arg5[%mul3A_252, %dma_start3A_285] : memref<6144x384xi32, #tpu.memory_space<hbm>> -> memref<192x384xi32, #tpu.memory_space<hbm>>
      tpu.enqueue_dma source(%arg13 : memref<192x384xi32, #tpu.memory_space<vmem>>) target(%dma_start3A_286 : memref<192x384xi32, #tpu.memory_space<hbm>>) target_semaphore(%run_scoped3A : memref<!tpu.dma_semaphore, #tpu.memory_space<semaphore_mem>>)
      %dma_wait3A_287 = arith.constant 0 : i32
      %dma_wait3A_288 = tpu.memref_slice %arg5[%mul3A_252, %dma_wait3A_287] : memref<6144x384xi32, #tpu.memory_space<hbm>> -> memref<192x384xi32, #tpu.memory_space<hbm>>
      %dma_wait3A_289 = arith.constant 0 : i32
      %dma_wait3A_290 = tpu.memref_slice %arg5[%mul3A_252, %dma_wait3A_289] : memref<6144x384xi32, #tpu.memory_space<hbm>> -> memref<192x384xi32, #tpu.memory_space<hbm>>
      tpu.wait_dma2 semaphore(%run_scoped3A : memref<!tpu.dma_semaphore, #tpu.memory_space<semaphore_mem>>) src(%arg13 : memref<192x384xi32, #tpu.memory_space<vmem>>) dst(%dma_wait3A_290 : memref<192x384xi32, #tpu.memory_space<hbm>>)
      tpu.yield
    }) : () -> ()
    return
  }
}

module attributes {stable_mosaic.version = 14 : i64} {
  func.func @_router_body(%arg0: memref<2048x768xf32, #tpu.memory_space<vmem>>, %arg1: memref<768x8xf32, #tpu.memory_space<vmem>>, %arg2: memref<2048x2xi32, #tpu.memory_space<vmem>>, %arg3: memref<2048x2xf32, #tpu.memory_space<vmem>>, %arg4: memref<1x8xi32, #tpu.memory_space<vmem>>) attributes {dimension_semantics = [], scalar_prefetch = 0 : i64, scratch_operands = 0 : i64, tpu.core_type = #tpu.core_type<tc>} {
    %get3A = arith.constant 0 : index
    %get3A_0 = arith.constant 0 : index
    %get3A_1 = vector.load %arg0[%get3A, %get3A_0] : memref<2048x768xf32, #tpu.memory_space<vmem>>, vector<2048x768xf32>
    %get3A_2 = arith.constant 0 : index
    %get3A_3 = arith.constant 0 : index
    %get3A_4 = vector.load %arg1[%get3A_2, %get3A_3] : memref<768x8xf32, #tpu.memory_space<vmem>>, vector<768x8xf32>
    %dot_general3A = arith.constant dense<0.000000e+00> : vector<2048x8xf32>
    %dot_general3A_5 = tpu.matmul %get3A_1, %get3A_4, %dot_general3A {dimension_numbers = #tpu.dot_dimension_numbers<[1], [0], [0], [1], [0, 0, 1, 1], [], []>, transpose_lhs_hint = false} : vector<2048x768xf32>, vector<768x8xf32>, vector<2048x8xf32> -> vector<2048x8xf32>
    %iota3A = tpu.iota {dimensions = array<i32: 1>} : vector<2048x8xi32>
    %reduce_max3A = arith.constant dense<0xFF800000> : vector<2048xf32>
    %reduce_max3A_6 = vector.multi_reduction <maximumf>, %dot_general3A_5, %reduce_max3A [1] : vector<2048x8xf32> to vector<2048xf32>
    %broadcast_in_dim3A = vector.shape_cast %reduce_max3A_6 : vector<2048xf32> to vector<2048x1xf32>
    %eq3A = vector.broadcast %broadcast_in_dim3A : vector<2048x1xf32> to vector<2048x8xf32>
    %eq3A_7 = arith.cmpf oeq, %dot_general3A_5, %eq3A : vector<2048x8xf32>
    %jit3A = arith.constant 8 : i32
    %broadcast_in_dim3A_8 = vector.broadcast %jit3A : i32 to vector<2048x8xi32>
    %select_n3A = arith.select %eq3A_7, %iota3A, %broadcast_in_dim3A_8 : vector<2048x8xi1>, vector<2048x8xi32>
    %reduce_min3A = arith.constant dense<2147483647> : vector<2048xi32>
    %reduce_min3A_9 = vector.multi_reduction <minsi>, %select_n3A, %reduce_min3A [1] : vector<2048x8xi32> to vector<2048xi32>
    %broadcast_in_dim3A_10 = vector.shape_cast %reduce_min3A_9 : vector<2048xi32> to vector<2048x1xi32>
    %eq3A_11 = vector.broadcast %broadcast_in_dim3A_10 : vector<2048x1xi32> to vector<2048x8xi32>
    %eq3A_12 = arith.cmpi eq, %iota3A, %eq3A_11 : vector<2048x8xi32>
    %jit3A_13 = arith.constant -1.000000e+30 : f32
    %broadcast_in_dim3A_14 = vector.broadcast %jit3A_13 : f32 to vector<2048x8xf32>
    %select_n3A_15 = arith.select %eq3A_12, %broadcast_in_dim3A_14, %dot_general3A_5 : vector<2048x8xi1>, vector<2048x8xf32>
    %reduce_max3A_16 = arith.constant dense<0xFF800000> : vector<2048xf32>
    %reduce_max3A_17 = vector.multi_reduction <maximumf>, %select_n3A_15, %reduce_max3A_16 [1] : vector<2048x8xf32> to vector<2048xf32>
    %broadcast_in_dim3A_18 = vector.shape_cast %reduce_max3A_17 : vector<2048xf32> to vector<2048x1xf32>
    %eq3A_19 = vector.broadcast %broadcast_in_dim3A_18 : vector<2048x1xf32> to vector<2048x8xf32>
    %eq3A_20 = arith.cmpf oeq, %select_n3A_15, %eq3A_19 : vector<2048x8xf32>
    %jit3A_21 = arith.constant 8 : i32
    %broadcast_in_dim3A_22 = vector.broadcast %jit3A_21 : i32 to vector<2048x8xi32>
    %select_n3A_23 = arith.select %eq3A_20, %iota3A, %broadcast_in_dim3A_22 : vector<2048x8xi1>, vector<2048x8xi32>
    %reduce_min3A_24 = arith.constant dense<2147483647> : vector<2048xi32>
    %reduce_min3A_25 = vector.multi_reduction <minsi>, %select_n3A_23, %reduce_min3A_24 [1] : vector<2048x8xi32> to vector<2048xi32>
    %broadcast_in_dim3A_26 = vector.shape_cast %reduce_min3A_25 : vector<2048xi32> to vector<2048x1xi32>
    %sub3A = arith.subf %broadcast_in_dim3A, %broadcast_in_dim3A_18 : vector<2048x1xf32>
    %logistic3A = arith.negf %sub3A : vector<2048x1xf32>
    %logistic3A_27 = math.exp %logistic3A : vector<2048x1xf32>
    %logistic3A_28 = arith.constant 1.000000e+00 : f32
    %logistic3A_29 = vector.broadcast %logistic3A_28 : f32 to vector<2048x1xf32>
    %logistic3A_30 = arith.addf %logistic3A_29, %logistic3A_27 : vector<2048x1xf32>
    %logistic3A_31 = arith.divf %logistic3A_29, %logistic3A_30 : vector<2048x1xf32>
    %eq3A_32 = vector.broadcast %broadcast_in_dim3A_10 : vector<2048x1xi32> to vector<2048x8xi32>
    %eq3A_33 = arith.cmpi eq, %iota3A, %eq3A_32 : vector<2048x8xi32>
    %convert_element_type3A = arith.extui %eq3A_33 : vector<2048x8xi1> to vector<2048x8xi32>
    %convert_element_type3A_34 = arith.sitofp %convert_element_type3A : vector<2048x8xi32> to vector<2048x8xf32>
    %eq3A_35 = vector.broadcast %broadcast_in_dim3A_26 : vector<2048x1xi32> to vector<2048x8xi32>
    %eq3A_36 = arith.cmpi eq, %iota3A, %eq3A_35 : vector<2048x8xi32>
    %convert_element_type3A_37 = arith.extui %eq3A_36 : vector<2048x8xi1> to vector<2048x8xi32>
    %convert_element_type3A_38 = arith.sitofp %convert_element_type3A_37 : vector<2048x8xi32> to vector<2048x8xf32>
    %add3A = arith.addf %convert_element_type3A_34, %convert_element_type3A_38 : vector<2048x8xf32>
    %iota3A_39 = tpu.iota {dimensions = array<i32: 0>} : vector<512x512xi32>
    %iota3A_40 = tpu.iota {dimensions = array<i32: 1>} : vector<512x512xi32>
    %lt3A = arith.cmpi slt, %iota3A_40, %iota3A_39 : vector<512x512xi32>
    %convert_element_type3A_41 = arith.extui %lt3A : vector<512x512xi1> to vector<512x512xi32>
    %convert_element_type3A_42 = arith.sitofp %convert_element_type3A_41 : vector<512x512xi32> to vector<512x512xf32>
    %broadcast_in_dim3A_43 = arith.constant 0.000000e+00 : f32
    %broadcast_in_dim3A_44 = vector.broadcast %broadcast_in_dim3A_43 : f32 to vector<1x8xf32>
    %slice3A = vector.extract_strided_slice %add3A {offsets = [0, 0], sizes = [512, 8], strides = [1, 1]} : vector<2048x8xf32> to vector<512x8xf32>
    %dot_general3A_45 = arith.constant dense<0.000000e+00> : vector<512x8xf32>
    %dot_general3A_46 = tpu.matmul %convert_element_type3A_42, %slice3A, %dot_general3A_45 {dimension_numbers = #tpu.dot_dimension_numbers<[1], [0], [0], [1], [0, 0, 1, 1], [], []>, transpose_lhs_hint = false} : vector<512x512xf32>, vector<512x8xf32>, vector<512x8xf32> -> vector<512x8xf32>
    %add3A_47 = vector.broadcast %broadcast_in_dim3A_44 : vector<1x8xf32> to vector<512x8xf32>
    %add3A_48 = arith.addf %dot_general3A_46, %add3A_47 : vector<512x8xf32>
    %reduce_sum3A = arith.constant dense<0.000000e+00> : vector<8xf32>
    %reduce_sum3A_49 = vector.multi_reduction <add>, %slice3A, %reduce_sum3A [0] : vector<512x8xf32> to vector<8xf32>
    %broadcast_in_dim3A_50 = vector.shape_cast %reduce_sum3A_49 : vector<8xf32> to vector<1x8xf32>
    %add3A_51 = arith.addf %broadcast_in_dim3A_44, %broadcast_in_dim3A_50 : vector<1x8xf32>
    %slice3A_52 = vector.extract_strided_slice %add3A {offsets = [512, 0], sizes = [512, 8], strides = [1, 1]} : vector<2048x8xf32> to vector<512x8xf32>
    %dot_general3A_53 = arith.constant dense<0.000000e+00> : vector<512x8xf32>
    %dot_general3A_54 = tpu.matmul %convert_element_type3A_42, %slice3A_52, %dot_general3A_53 {dimension_numbers = #tpu.dot_dimension_numbers<[1], [0], [0], [1], [0, 0, 1, 1], [], []>, transpose_lhs_hint = false} : vector<512x512xf32>, vector<512x8xf32>, vector<512x8xf32> -> vector<512x8xf32>
    %add3A_55 = vector.broadcast %add3A_51 : vector<1x8xf32> to vector<512x8xf32>
    %add3A_56 = arith.addf %dot_general3A_54, %add3A_55 : vector<512x8xf32>
    %reduce_sum3A_57 = arith.constant dense<0.000000e+00> : vector<8xf32>
    %reduce_sum3A_58 = vector.multi_reduction <add>, %slice3A_52, %reduce_sum3A_57 [0] : vector<512x8xf32> to vector<8xf32>
    %broadcast_in_dim3A_59 = vector.shape_cast %reduce_sum3A_58 : vector<8xf32> to vector<1x8xf32>
    %add3A_60 = arith.addf %add3A_51, %broadcast_in_dim3A_59 : vector<1x8xf32>
    %slice3A_61 = vector.extract_strided_slice %add3A {offsets = [1024, 0], sizes = [512, 8], strides = [1, 1]} : vector<2048x8xf32> to vector<512x8xf32>
    %dot_general3A_62 = arith.constant dense<0.000000e+00> : vector<512x8xf32>
    %dot_general3A_63 = tpu.matmul %convert_element_type3A_42, %slice3A_61, %dot_general3A_62 {dimension_numbers = #tpu.dot_dimension_numbers<[1], [0], [0], [1], [0, 0, 1, 1], [], []>, transpose_lhs_hint = false} : vector<512x512xf32>, vector<512x8xf32>, vector<512x8xf32> -> vector<512x8xf32>
    %add3A_64 = vector.broadcast %add3A_60 : vector<1x8xf32> to vector<512x8xf32>
    %add3A_65 = arith.addf %dot_general3A_63, %add3A_64 : vector<512x8xf32>
    %reduce_sum3A_66 = arith.constant dense<0.000000e+00> : vector<8xf32>
    %reduce_sum3A_67 = vector.multi_reduction <add>, %slice3A_61, %reduce_sum3A_66 [0] : vector<512x8xf32> to vector<8xf32>
    %broadcast_in_dim3A_68 = vector.shape_cast %reduce_sum3A_67 : vector<8xf32> to vector<1x8xf32>
    %add3A_69 = arith.addf %add3A_60, %broadcast_in_dim3A_68 : vector<1x8xf32>
    %slice3A_70 = vector.extract_strided_slice %add3A {offsets = [1536, 0], sizes = [512, 8], strides = [1, 1]} : vector<2048x8xf32> to vector<512x8xf32>
    %dot_general3A_71 = arith.constant dense<0.000000e+00> : vector<512x8xf32>
    %dot_general3A_72 = tpu.matmul %convert_element_type3A_42, %slice3A_70, %dot_general3A_71 {dimension_numbers = #tpu.dot_dimension_numbers<[1], [0], [0], [1], [0, 0, 1, 1], [], []>, transpose_lhs_hint = false} : vector<512x512xf32>, vector<512x8xf32>, vector<512x8xf32> -> vector<512x8xf32>
    %add3A_73 = vector.broadcast %add3A_69 : vector<1x8xf32> to vector<512x8xf32>
    %add3A_74 = arith.addf %dot_general3A_72, %add3A_73 : vector<512x8xf32>
    %reduce_sum3A_75 = arith.constant dense<0.000000e+00> : vector<8xf32>
    %reduce_sum3A_76 = vector.multi_reduction <add>, %slice3A_70, %reduce_sum3A_75 [0] : vector<512x8xf32> to vector<8xf32>
    %broadcast_in_dim3A_77 = vector.shape_cast %reduce_sum3A_76 : vector<8xf32> to vector<1x8xf32>
    %add3A_78 = arith.addf %add3A_69, %broadcast_in_dim3A_77 : vector<1x8xf32>
    %concatenate3A = tpu.concatenate %add3A_48, %add3A_56, %add3A_65, %add3A_74 in 0 : vector<512x8xf32>, vector<512x8xf32>, vector<512x8xf32>, vector<512x8xf32> -> vector<2048x8xf32>
    %add3A_79 = arith.constant 2.550000e+02 : f32
    %add3A_80 = vector.broadcast %add3A_79 : f32 to vector<1x8xf32>
    %add3A_81 = arith.addf %add3A_78, %add3A_80 : vector<1x8xf32>
    %mul3A = arith.constant 3.906250e-03 : f32
    %mul3A_82 = vector.broadcast %mul3A : f32 to vector<1x8xf32>
    %mul3A_83 = arith.mulf %add3A_81, %mul3A_82 : vector<1x8xf32>
    %floor3A = math.floor %mul3A_83 : vector<1x8xf32>
    %mul3A_84 = arith.constant 2.560000e+02 : f32
    %mul3A_85 = vector.broadcast %mul3A_84 : f32 to vector<1x8xf32>
    %mul3A_86 = arith.mulf %floor3A, %mul3A_85 : vector<1x8xf32>
    %iota3A_87 = tpu.iota {dimensions = array<i32: 0>} : vector<8x8xi32>
    %iota3A_88 = tpu.iota {dimensions = array<i32: 1>} : vector<8x8xi32>
    %lt3A_89 = arith.cmpi slt, %iota3A_87, %iota3A_88 : vector<8x8xi32>
    %convert_element_type3A_90 = arith.extui %lt3A_89 : vector<8x8xi1> to vector<8x8xi32>
    %convert_element_type3A_91 = arith.sitofp %convert_element_type3A_90 : vector<8x8xi32> to vector<8x8xf32>
    %dot_general3A_92 = arith.constant dense<0.000000e+00> : vector<1x8xf32>
    %dot_general3A_93 = tpu.matmul %mul3A_86, %convert_element_type3A_91, %dot_general3A_92 {dimension_numbers = #tpu.dot_dimension_numbers<[1], [0], [0], [1], [0, 0, 1, 1], [], []>, transpose_lhs_hint = false} : vector<1x8xf32>, vector<8x8xf32>, vector<1x8xf32> -> vector<1x8xf32>
    %add3A_94 = vector.broadcast %dot_general3A_93 : vector<1x8xf32> to vector<2048x8xf32>
    %add3A_95 = arith.addf %concatenate3A, %add3A_94 : vector<2048x8xf32>
    %mul3A_96 = arith.mulf %convert_element_type3A_34, %add3A_95 : vector<2048x8xf32>
    %reduce_sum3A_97 = arith.constant dense<0.000000e+00> : vector<2048xf32>
    %reduce_sum3A_98 = vector.multi_reduction <add>, %mul3A_96, %reduce_sum3A_97 [1] : vector<2048x8xf32> to vector<2048xf32>
    %broadcast_in_dim3A_99 = vector.shape_cast %reduce_sum3A_98 : vector<2048xf32> to vector<2048x1xf32>
    %mul3A_100 = arith.mulf %convert_element_type3A_38, %add3A_95 : vector<2048x8xf32>
    %reduce_sum3A_101 = arith.constant dense<0.000000e+00> : vector<2048xf32>
    %reduce_sum3A_102 = vector.multi_reduction <add>, %mul3A_100, %reduce_sum3A_101 [1] : vector<2048x8xf32> to vector<2048xf32>
    %broadcast_in_dim3A_103 = vector.shape_cast %reduce_sum3A_102 : vector<2048xf32> to vector<2048x1xf32>
    %convert_element_type3A_104 = arith.fptosi %broadcast_in_dim3A_99 : vector<2048x1xf32> to vector<2048x1xi32>
    %swap3A = arith.constant 0 : index
    %swap3A_105 = arith.constant 0 : index
    %swap3A_106 = vector.load %arg2[%swap3A, %swap3A_105] : memref<2048x2xi32, #tpu.memory_space<vmem>>, vector<2048x1xi32>
    tpu.vector_store %arg2[%swap3A, %swap3A_105], %convert_element_type3A_104 {strides = array<i32>} : memref<2048x2xi32, #tpu.memory_space<vmem>>, vector<2048x1xi32>,
    %convert_element_type3A_107 = arith.fptosi %broadcast_in_dim3A_103 : vector<2048x1xf32> to vector<2048x1xi32>
    %swap3A_108 = arith.constant 0 : index
    %swap3A_109 = arith.constant 1 : index
    %swap3A_110 = vector.load %arg2[%swap3A_108, %swap3A_109] : memref<2048x2xi32, #tpu.memory_space<vmem>>, vector<2048x1xi32>
    tpu.vector_store %arg2[%swap3A_108, %swap3A_109], %convert_element_type3A_107 {strides = array<i32>} : memref<2048x2xi32, #tpu.memory_space<vmem>>, vector<2048x1xi32>,
    %swap3A_111 = arith.constant 0 : index
    %swap3A_112 = arith.constant 0 : index
    %swap3A_113 = vector.load %arg3[%swap3A_111, %swap3A_112] : memref<2048x2xf32, #tpu.memory_space<vmem>>, vector<2048x1xf32>
    tpu.vector_store %arg3[%swap3A_111, %swap3A_112], %logistic3A_31 {strides = array<i32>} : memref<2048x2xf32, #tpu.memory_space<vmem>>, vector<2048x1xf32>,
    %sub3A_114 = arith.constant 1.000000e+00 : f32
    %sub3A_115 = vector.broadcast %sub3A_114 : f32 to vector<2048x1xf32>
    %sub3A_116 = arith.subf %sub3A_115, %logistic3A_31 : vector<2048x1xf32>
    %swap3A_117 = arith.constant 0 : index
    %swap3A_118 = arith.constant 1 : index
    %swap3A_119 = vector.load %arg3[%swap3A_117, %swap3A_118] : memref<2048x2xf32, #tpu.memory_space<vmem>>, vector<2048x1xf32>
    tpu.vector_store %arg3[%swap3A_117, %swap3A_118], %sub3A_116 {strides = array<i32>} : memref<2048x2xf32, #tpu.memory_space<vmem>>, vector<2048x1xf32>,
    %add3A_120 = arith.addf %dot_general3A_93, %mul3A_86 : vector<1x8xf32>
    %convert_element_type3A_121 = arith.fptosi %add3A_120 : vector<1x8xf32> to vector<1x8xi32>
    %swap3A_122 = arith.constant 0 : index
    %swap3A_123 = arith.constant 0 : index
    %swap3A_124 = vector.load %arg4[%swap3A_122, %swap3A_123] : memref<1x8xi32, #tpu.memory_space<vmem>>, vector<1x8xi32>
    tpu.vector_store %arg4[%swap3A_122, %swap3A_123], %convert_element_type3A_121 {strides = array<i32>} : memref<1x8xi32, #tpu.memory_space<vmem>>, vector<1x8xi32>,
    return
  }
}

module attributes {stable_mosaic.version = 14 : i64} {
  func.func @_gemm_body(%arg0: i32, %arg1: memref<8xi32, #tpu.memory_space<smem>>, %arg2: memref<256x768xbf16, #tpu.memory_space<vmem>>, %arg3: memref<256x1xf32, #tpu.memory_space<vmem>>, %arg4: memref<1x1536x768xf32, #tpu.memory_space<vmem>>, %arg5: memref<1x768x768xf32, #tpu.memory_space<vmem>>, %arg6: memref<256x768xbf16, #tpu.memory_space<vmem>>) attributes {dimension_semantics = [#tpu.dimension_semantics<arbitrary>], iteration_bounds = array<i64: 24>, scalar_prefetch = 1 : i64, scratch_operands = 0 : i64, tpu.core_type = #tpu.core_type<tc>, window_params = [{transform_indices = @transform_0, window_bounds = array<i64: 256, 768>}, {transform_indices = @transform_1, window_bounds = array<i64: 256, 1>}, {transform_indices = @transform_2, window_bounds = array<i64: 1, 1536, 768>}, {transform_indices = @transform_3, window_bounds = array<i64: 1, 768, 768>}, {transform_indices = @transform_4, window_bounds = array<i64: 256, 768>}]} {
    %get3A = arith.constant 7 : index
    %get3A_0 = memref.load %arg1[%get3A] : memref<8xi32, #tpu.memory_space<smem>>
    %jit3A = arith.constant 256 : i32
    %div3A = arith.divsi %get3A_0, %jit3A : i32
    %sign3A = arith.constant 0 : i32
    %sign3A_1 = arith.cmpi sgt, %get3A_0, %sign3A : i32
    %sign3A_2 = arith.extui %sign3A_1 : i1 to i32
    %sign3A_3 = arith.constant 0 : i32
    %sign3A_4 = arith.cmpi slt, %get3A_0, %sign3A_3 : i32
    %sign3A_5 = arith.extui %sign3A_4 : i1 to i32
    %sign3A_6 = arith.subi %sign3A_2, %sign3A_5 : i32
    %sign3A_7 = arith.constant 0 : i32
    %sign3A_8 = arith.cmpi sgt, %jit3A, %sign3A_7 : i32
    %sign3A_9 = arith.extui %sign3A_8 : i1 to i32
    %sign3A_10 = arith.constant 0 : i32
    %sign3A_11 = arith.cmpi slt, %jit3A, %sign3A_10 : i32
    %sign3A_12 = arith.extui %sign3A_11 : i1 to i32
    %sign3A_13 = arith.subi %sign3A_9, %sign3A_12 : i32
    %ne3A = arith.cmpi ne, %sign3A_6, %sign3A_13 : i32
    %rem3A = arith.remsi %get3A_0, %jit3A : i32
    %ne3A_14 = arith.constant 0 : i32
    %ne3A_15 = arith.cmpi ne, %rem3A, %ne3A_14 : i32
    %and3A = arith.andi %ne3A, %ne3A_15 : i1
    %sub3A = arith.constant 1 : i32
    %sub3A_16 = arith.subi %div3A, %sub3A : i32
    %select_n3A = arith.select %and3A, %sub3A_16, %div3A : i32
    %lt3A = arith.cmpi slt, %arg0, %select_n3A : i32
    %convert_element_type3A = arith.extui %lt3A : i1 to i32
    %cond3A = arith.constant 0 : i32
    %cond3A_17 = arith.cmpi ne, %convert_element_type3A, %cond3A : i32
    scf.if %cond3A_17 {
      %get3A_18 = arith.constant 0 : index
      %get3A_19 = arith.constant 0 : index
      %get3A_20 = vector.load %arg2[%get3A_18, %get3A_19] : memref<256x768xbf16, #tpu.memory_space<vmem>>, vector<256x768xbf16>
      %get3A_21 = arith.constant 0 : index
      %get3A_22 = arith.constant 0 : index
      %get3A_23 = arith.constant 0 : index
      %get3A_24 = vector.load %arg4[%get3A_21, %get3A_22, %get3A_23] : memref<1x1536x768xf32, #tpu.memory_space<vmem>>, vector<1x1536x768xf32>
      %get3A_25 = vector.shape_cast %get3A_24 : vector<1x1536x768xf32> to vector<1536x768xf32>
      %convert_element_type3A_26 = arith.truncf %get3A_25 : vector<1536x768xf32> to vector<1536x768xbf16>
      %dot_general3A = arith.constant dense<0.000000e+00> : vector<256x1536xf32>
      %dot_general3A_27 = tpu.matmul %get3A_20, %convert_element_type3A_26, %dot_general3A {dimension_numbers = #tpu.dot_dimension_numbers<[1], [1], [0], [0], [0, 0, 1, 0], [], []>, transpose_lhs_hint = false} : vector<256x768xbf16>, vector<1536x768xbf16>, vector<256x1536xf32> -> vector<256x1536xf32>
      %slice3A = vector.extract_strided_slice %dot_general3A_27 {offsets = [0, 0], sizes = [256, 768], strides = [1, 1]} : vector<256x1536xf32> to vector<256x768xf32>
      %slice3A_28 = vector.extract_strided_slice %dot_general3A_27 {offsets = [0, 768], sizes = [256, 768], strides = [1, 1]} : vector<256x1536xf32> to vector<256x768xf32>
      %logistic3A = arith.negf %slice3A : vector<256x768xf32>
      %logistic3A_29 = math.exp %logistic3A : vector<256x768xf32>
      %logistic3A_30 = arith.constant 1.000000e+00 : f32
      %logistic3A_31 = vector.broadcast %logistic3A_30 : f32 to vector<256x768xf32>
      %logistic3A_32 = arith.addf %logistic3A_31, %logistic3A_29 : vector<256x768xf32>
      %logistic3A_33 = arith.divf %logistic3A_31, %logistic3A_32 : vector<256x768xf32>
      %mul3A = arith.mulf %slice3A, %logistic3A_33 : vector<256x768xf32>
      %mul3A_34 = arith.mulf %mul3A, %slice3A_28 : vector<256x768xf32>
      %convert_element_type3A_35 = arith.truncf %mul3A_34 : vector<256x768xf32> to vector<256x768xbf16>
      %get3A_36 = arith.constant 0 : index
      %get3A_37 = arith.constant 0 : index
      %get3A_38 = arith.constant 0 : index
      %get3A_39 = vector.load %arg5[%get3A_36, %get3A_37, %get3A_38] : memref<1x768x768xf32, #tpu.memory_space<vmem>>, vector<1x768x768xf32>
      %get3A_40 = vector.shape_cast %get3A_39 : vector<1x768x768xf32> to vector<768x768xf32>
      %convert_element_type3A_41 = arith.truncf %get3A_40 : vector<768x768xf32> to vector<768x768xbf16>
      %dot_general3A_42 = arith.constant dense<0.000000e+00> : vector<256x768xf32>
      %dot_general3A_43 = tpu.matmul %convert_element_type3A_35, %convert_element_type3A_41, %dot_general3A_42 {dimension_numbers = #tpu.dot_dimension_numbers<[1], [0], [0], [1], [0, 0, 1, 1], [], []>, transpose_lhs_hint = false} : vector<256x768xbf16>, vector<768x768xbf16>, vector<256x768xf32> -> vector<256x768xf32>
      %get3A_44 = arith.constant 0 : index
      %get3A_45 = arith.constant 0 : index
      %get3A_46 = vector.load %arg3[%get3A_44, %get3A_45] : memref<256x1xf32, #tpu.memory_space<vmem>>, vector<256x1xf32>
      %mul3A_47 = vector.broadcast %get3A_46 : vector<256x1xf32> to vector<256x768xf32>
      %mul3A_48 = arith.mulf %dot_general3A_43, %mul3A_47 : vector<256x768xf32>
      %convert_element_type3A_49 = arith.truncf %mul3A_48 : vector<256x768xf32> to vector<256x768xbf16>
      %swap3A = arith.constant 0 : index
      %swap3A_50 = arith.constant 0 : index
      %swap3A_51 = vector.load %arg6[%swap3A, %swap3A_50] : memref<256x768xbf16, #tpu.memory_space<vmem>>, vector<256x768xbf16>
      tpu.vector_store %arg6[%swap3A, %swap3A_50], %convert_element_type3A_49 {strides = array<i32>} : memref<256x768xbf16, #tpu.memory_space<vmem>>, vector<256x768xbf16>,
    } else {
    }
    return
  }
  func.func @transform_0(%arg0: i32, %arg1: memref<8xi32, #tpu.memory_space<smem>>) -> (i32, i32) {
    %get3A = arith.constant 7 : index
    %get3A_0 = memref.load %arg1[%get3A] : memref<8xi32, #tpu.memory_space<smem>>
    %jit3A = arith.constant 256 : i32
    %div3A = arith.divsi %get3A_0, %jit3A : i32
    %sign3A = arith.constant 0 : i32
    %sign3A_1 = arith.cmpi sgt, %get3A_0, %sign3A : i32
    %sign3A_2 = arith.extui %sign3A_1 : i1 to i32
    %sign3A_3 = arith.constant 0 : i32
    %sign3A_4 = arith.cmpi slt, %get3A_0, %sign3A_3 : i32
    %sign3A_5 = arith.extui %sign3A_4 : i1 to i32
    %sign3A_6 = arith.subi %sign3A_2, %sign3A_5 : i32
    %sign3A_7 = arith.constant 0 : i32
    %sign3A_8 = arith.cmpi sgt, %jit3A, %sign3A_7 : i32
    %sign3A_9 = arith.extui %sign3A_8 : i1 to i32
    %sign3A_10 = arith.constant 0 : i32
    %sign3A_11 = arith.cmpi slt, %jit3A, %sign3A_10 : i32
    %sign3A_12 = arith.extui %sign3A_11 : i1 to i32
    %sign3A_13 = arith.subi %sign3A_9, %sign3A_12 : i32
    %ne3A = arith.cmpi ne, %sign3A_6, %sign3A_13 : i32
    %rem3A = arith.remsi %get3A_0, %jit3A : i32
    %ne3A_14 = arith.constant 0 : i32
    %ne3A_15 = arith.cmpi ne, %rem3A, %ne3A_14 : i32
    %and3A = arith.andi %ne3A, %ne3A_15 : i1
    %sub3A = arith.constant 1 : i32
    %sub3A_16 = arith.subi %div3A, %sub3A : i32
    %select_n3A = arith.select %and3A, %sub3A_16, %div3A : i32
    %sub3A_17 = arith.constant 1 : i32
    %sub3A_18 = arith.subi %select_n3A, %sub3A_17 : i32
    %min3A = arith.minsi %arg0, %sub3A_18 : i32
    %c0_i32 = arith.constant 0 : i32
    %c0_i32_19 = arith.constant 0 : i32
    return %min3A, %c0_i32 : i32, i32
  }
  func.func @transform_1(%arg0: i32, %arg1: memref<8xi32, #tpu.memory_space<smem>>) -> (i32, i32) {
    %get3A = arith.constant 7 : index
    %get3A_0 = memref.load %arg1[%get3A] : memref<8xi32, #tpu.memory_space<smem>>
    %jit3A = arith.constant 256 : i32
    %div3A = arith.divsi %get3A_0, %jit3A : i32
    %sign3A = arith.constant 0 : i32
    %sign3A_1 = arith.cmpi sgt, %get3A_0, %sign3A : i32
    %sign3A_2 = arith.extui %sign3A_1 : i1 to i32
    %sign3A_3 = arith.constant 0 : i32
    %sign3A_4 = arith.cmpi slt, %get3A_0, %sign3A_3 : i32
    %sign3A_5 = arith.extui %sign3A_4 : i1 to i32
    %sign3A_6 = arith.subi %sign3A_2, %sign3A_5 : i32
    %sign3A_7 = arith.constant 0 : i32
    %sign3A_8 = arith.cmpi sgt, %jit3A, %sign3A_7 : i32
    %sign3A_9 = arith.extui %sign3A_8 : i1 to i32
    %sign3A_10 = arith.constant 0 : i32
    %sign3A_11 = arith.cmpi slt, %jit3A, %sign3A_10 : i32
    %sign3A_12 = arith.extui %sign3A_11 : i1 to i32
    %sign3A_13 = arith.subi %sign3A_9, %sign3A_12 : i32
    %ne3A = arith.cmpi ne, %sign3A_6, %sign3A_13 : i32
    %rem3A = arith.remsi %get3A_0, %jit3A : i32
    %ne3A_14 = arith.constant 0 : i32
    %ne3A_15 = arith.cmpi ne, %rem3A, %ne3A_14 : i32
    %and3A = arith.andi %ne3A, %ne3A_15 : i1
    %sub3A = arith.constant 1 : i32
    %sub3A_16 = arith.subi %div3A, %sub3A : i32
    %select_n3A = arith.select %and3A, %sub3A_16, %div3A : i32
    %sub3A_17 = arith.constant 1 : i32
    %sub3A_18 = arith.subi %select_n3A, %sub3A_17 : i32
    %min3A = arith.minsi %arg0, %sub3A_18 : i32
    %c0_i32 = arith.constant 0 : i32
    %c0_i32_19 = arith.constant 0 : i32
    return %min3A, %c0_i32 : i32, i32
  }
  func.func @transform_2(%arg0: i32, %arg1: memref<8xi32, #tpu.memory_space<smem>>) -> (i32, i32, i32) {
    %get3A = arith.constant 0 : index
    %get3A_0 = memref.load %arg1[%get3A] : memref<8xi32, #tpu.memory_space<smem>>
    %mul3A = arith.constant 256 : i32
    %mul3A_1 = arith.muli %arg0, %mul3A : i32
    %le3A = arith.cmpi sle, %get3A_0, %mul3A_1 : i32
    %convert_element_type3A = arith.extui %le3A : i1 to i32
    %add3A = arith.constant 0 : i32
    %add3A_2 = arith.addi %add3A, %convert_element_type3A : i32
    %get3A_3 = arith.constant 1 : index
    %get3A_4 = memref.load %arg1[%get3A_3] : memref<8xi32, #tpu.memory_space<smem>>
    %mul3A_5 = arith.constant 256 : i32
    %mul3A_6 = arith.muli %arg0, %mul3A_5 : i32
    %le3A_7 = arith.cmpi sle, %get3A_4, %mul3A_6 : i32
    %convert_element_type3A_8 = arith.extui %le3A_7 : i1 to i32
    %add3A_9 = arith.addi %add3A_2, %convert_element_type3A_8 : i32
    %get3A_10 = arith.constant 2 : index
    %get3A_11 = memref.load %arg1[%get3A_10] : memref<8xi32, #tpu.memory_space<smem>>
    %mul3A_12 = arith.constant 256 : i32
    %mul3A_13 = arith.muli %arg0, %mul3A_12 : i32
    %le3A_14 = arith.cmpi sle, %get3A_11, %mul3A_13 : i32
    %convert_element_type3A_15 = arith.extui %le3A_14 : i1 to i32
    %add3A_16 = arith.addi %add3A_9, %convert_element_type3A_15 : i32
    %get3A_17 = arith.constant 3 : index
    %get3A_18 = memref.load %arg1[%get3A_17] : memref<8xi32, #tpu.memory_space<smem>>
    %mul3A_19 = arith.constant 256 : i32
    %mul3A_20 = arith.muli %arg0, %mul3A_19 : i32
    %le3A_21 = arith.cmpi sle, %get3A_18, %mul3A_20 : i32
    %convert_element_type3A_22 = arith.extui %le3A_21 : i1 to i32
    %add3A_23 = arith.addi %add3A_16, %convert_element_type3A_22 : i32
    %get3A_24 = arith.constant 4 : index
    %get3A_25 = memref.load %arg1[%get3A_24] : memref<8xi32, #tpu.memory_space<smem>>
    %mul3A_26 = arith.constant 256 : i32
    %mul3A_27 = arith.muli %arg0, %mul3A_26 : i32
    %le3A_28 = arith.cmpi sle, %get3A_25, %mul3A_27 : i32
    %convert_element_type3A_29 = arith.extui %le3A_28 : i1 to i32
    %add3A_30 = arith.addi %add3A_23, %convert_element_type3A_29 : i32
    %get3A_31 = arith.constant 5 : index
    %get3A_32 = memref.load %arg1[%get3A_31] : memref<8xi32, #tpu.memory_space<smem>>
    %mul3A_33 = arith.constant 256 : i32
    %mul3A_34 = arith.muli %arg0, %mul3A_33 : i32
    %le3A_35 = arith.cmpi sle, %get3A_32, %mul3A_34 : i32
    %convert_element_type3A_36 = arith.extui %le3A_35 : i1 to i32
    %add3A_37 = arith.addi %add3A_30, %convert_element_type3A_36 : i32
    %get3A_38 = arith.constant 6 : index
    %get3A_39 = memref.load %arg1[%get3A_38] : memref<8xi32, #tpu.memory_space<smem>>
    %mul3A_40 = arith.constant 256 : i32
    %mul3A_41 = arith.muli %arg0, %mul3A_40 : i32
    %le3A_42 = arith.cmpi sle, %get3A_39, %mul3A_41 : i32
    %convert_element_type3A_43 = arith.extui %le3A_42 : i1 to i32
    %add3A_44 = arith.addi %add3A_37, %convert_element_type3A_43 : i32
    %get3A_45 = arith.constant 7 : index
    %get3A_46 = memref.load %arg1[%get3A_45] : memref<8xi32, #tpu.memory_space<smem>>
    %mul3A_47 = arith.constant 256 : i32
    %mul3A_48 = arith.muli %arg0, %mul3A_47 : i32
    %le3A_49 = arith.cmpi sle, %get3A_46, %mul3A_48 : i32
    %convert_element_type3A_50 = arith.extui %le3A_49 : i1 to i32
    %add3A_51 = arith.addi %add3A_44, %convert_element_type3A_50 : i32
    %min3A = arith.constant 7 : i32
    %min3A_52 = arith.minsi %add3A_51, %min3A : i32
    %c0_i32 = arith.constant 0 : i32
    %c0_i32_53 = arith.constant 0 : i32
    %c0_i32_54 = arith.constant 0 : i32
    return %min3A_52, %c0_i32, %c0_i32_53 : i32, i32, i32
  }
  func.func @transform_3(%arg0: i32, %arg1: memref<8xi32, #tpu.memory_space<smem>>) -> (i32, i32, i32) {
    %get3A = arith.constant 0 : index
    %get3A_0 = memref.load %arg1[%get3A] : memref<8xi32, #tpu.memory_space<smem>>
    %mul3A = arith.constant 256 : i32
    %mul3A_1 = arith.muli %arg0, %mul3A : i32
    %le3A = arith.cmpi sle, %get3A_0, %mul3A_1 : i32
    %convert_element_type3A = arith.extui %le3A : i1 to i32
    %add3A = arith.constant 0 : i32
    %add3A_2 = arith.addi %add3A, %convert_element_type3A : i32
    %get3A_3 = arith.constant 1 : index
    %get3A_4 = memref.load %arg1[%get3A_3] : memref<8xi32, #tpu.memory_space<smem>>
    %mul3A_5 = arith.constant 256 : i32
    %mul3A_6 = arith.muli %arg0, %mul3A_5 : i32
    %le3A_7 = arith.cmpi sle, %get3A_4, %mul3A_6 : i32
    %convert_element_type3A_8 = arith.extui %le3A_7 : i1 to i32
    %add3A_9 = arith.addi %add3A_2, %convert_element_type3A_8 : i32
    %get3A_10 = arith.constant 2 : index
    %get3A_11 = memref.load %arg1[%get3A_10] : memref<8xi32, #tpu.memory_space<smem>>
    %mul3A_12 = arith.constant 256 : i32
    %mul3A_13 = arith.muli %arg0, %mul3A_12 : i32
    %le3A_14 = arith.cmpi sle, %get3A_11, %mul3A_13 : i32
    %convert_element_type3A_15 = arith.extui %le3A_14 : i1 to i32
    %add3A_16 = arith.addi %add3A_9, %convert_element_type3A_15 : i32
    %get3A_17 = arith.constant 3 : index
    %get3A_18 = memref.load %arg1[%get3A_17] : memref<8xi32, #tpu.memory_space<smem>>
    %mul3A_19 = arith.constant 256 : i32
    %mul3A_20 = arith.muli %arg0, %mul3A_19 : i32
    %le3A_21 = arith.cmpi sle, %get3A_18, %mul3A_20 : i32
    %convert_element_type3A_22 = arith.extui %le3A_21 : i1 to i32
    %add3A_23 = arith.addi %add3A_16, %convert_element_type3A_22 : i32
    %get3A_24 = arith.constant 4 : index
    %get3A_25 = memref.load %arg1[%get3A_24] : memref<8xi32, #tpu.memory_space<smem>>
    %mul3A_26 = arith.constant 256 : i32
    %mul3A_27 = arith.muli %arg0, %mul3A_26 : i32
    %le3A_28 = arith.cmpi sle, %get3A_25, %mul3A_27 : i32
    %convert_element_type3A_29 = arith.extui %le3A_28 : i1 to i32
    %add3A_30 = arith.addi %add3A_23, %convert_element_type3A_29 : i32
    %get3A_31 = arith.constant 5 : index
    %get3A_32 = memref.load %arg1[%get3A_31] : memref<8xi32, #tpu.memory_space<smem>>
    %mul3A_33 = arith.constant 256 : i32
    %mul3A_34 = arith.muli %arg0, %mul3A_33 : i32
    %le3A_35 = arith.cmpi sle, %get3A_32, %mul3A_34 : i32
    %convert_element_type3A_36 = arith.extui %le3A_35 : i1 to i32
    %add3A_37 = arith.addi %add3A_30, %convert_element_type3A_36 : i32
    %get3A_38 = arith.constant 6 : index
    %get3A_39 = memref.load %arg1[%get3A_38] : memref<8xi32, #tpu.memory_space<smem>>
    %mul3A_40 = arith.constant 256 : i32
    %mul3A_41 = arith.muli %arg0, %mul3A_40 : i32
    %le3A_42 = arith.cmpi sle, %get3A_39, %mul3A_41 : i32
    %convert_element_type3A_43 = arith.extui %le3A_42 : i1 to i32
    %add3A_44 = arith.addi %add3A_37, %convert_element_type3A_43 : i32
    %get3A_45 = arith.constant 7 : index
    %get3A_46 = memref.load %arg1[%get3A_45] : memref<8xi32, #tpu.memory_space<smem>>
    %mul3A_47 = arith.constant 256 : i32
    %mul3A_48 = arith.muli %arg0, %mul3A_47 : i32
    %le3A_49 = arith.cmpi sle, %get3A_46, %mul3A_48 : i32
    %convert_element_type3A_50 = arith.extui %le3A_49 : i1 to i32
    %add3A_51 = arith.addi %add3A_44, %convert_element_type3A_50 : i32
    %min3A = arith.constant 7 : i32
    %min3A_52 = arith.minsi %add3A_51, %min3A : i32
    %c0_i32 = arith.constant 0 : i32
    %c0_i32_53 = arith.constant 0 : i32
    %c0_i32_54 = arith.constant 0 : i32
    return %min3A_52, %c0_i32, %c0_i32_53 : i32, i32, i32
  }
  func.func @transform_4(%arg0: i32, %arg1: memref<8xi32, #tpu.memory_space<smem>>) -> (i32, i32) {
    %get3A = arith.constant 7 : index
    %get3A_0 = memref.load %arg1[%get3A] : memref<8xi32, #tpu.memory_space<smem>>
    %jit3A = arith.constant 256 : i32
    %div3A = arith.divsi %get3A_0, %jit3A : i32
    %sign3A = arith.constant 0 : i32
    %sign3A_1 = arith.cmpi sgt, %get3A_0, %sign3A : i32
    %sign3A_2 = arith.extui %sign3A_1 : i1 to i32
    %sign3A_3 = arith.constant 0 : i32
    %sign3A_4 = arith.cmpi slt, %get3A_0, %sign3A_3 : i32
    %sign3A_5 = arith.extui %sign3A_4 : i1 to i32
    %sign3A_6 = arith.subi %sign3A_2, %sign3A_5 : i32
    %sign3A_7 = arith.constant 0 : i32
    %sign3A_8 = arith.cmpi sgt, %jit3A, %sign3A_7 : i32
    %sign3A_9 = arith.extui %sign3A_8 : i1 to i32
    %sign3A_10 = arith.constant 0 : i32
    %sign3A_11 = arith.cmpi slt, %jit3A, %sign3A_10 : i32
    %sign3A_12 = arith.extui %sign3A_11 : i1 to i32
    %sign3A_13 = arith.subi %sign3A_9, %sign3A_12 : i32
    %ne3A = arith.cmpi ne, %sign3A_6, %sign3A_13 : i32
    %rem3A = arith.remsi %get3A_0, %jit3A : i32
    %ne3A_14 = arith.constant 0 : i32
    %ne3A_15 = arith.cmpi ne, %rem3A, %ne3A_14 : i32
    %and3A = arith.andi %ne3A, %ne3A_15 : i1
    %sub3A = arith.constant 1 : i32
    %sub3A_16 = arith.subi %div3A, %sub3A : i32
    %select_n3A = arith.select %and3A, %sub3A_16, %div3A : i32
    %sub3A_17 = arith.constant 1 : i32
    %sub3A_18 = arith.subi %select_n3A, %sub3A_17 : i32
    %min3A = arith.minsi %arg0, %sub3A_18 : i32
    %c0_i32 = arith.constant 0 : i32
    %c0_i32_19 = arith.constant 0 : i32
    return %min3A, %c0_i32 : i32, i32
  }
}

module attributes {stable_mosaic.version = 14 : i64} {
  func.func @_pairadd_body(%arg0: memref<2048x2x768xbf16, #tpu.memory_space<vmem>>, %arg1: memref<2048x768xf32, #tpu.memory_space<vmem>>) attributes {dimension_semantics = [], scalar_prefetch = 0 : i64, scratch_operands = 0 : i64, tpu.core_type = #tpu.core_type<tc>} {
    %get3A = arith.constant 0 : index
    %get3A_0 = arith.constant 0 : index
    %get3A_1 = arith.constant 0 : index
    %get3A_2 = vector.load %arg0[%get3A, %get3A_0, %get3A_1] : memref<2048x2x768xbf16, #tpu.memory_space<vmem>>, vector<2048x1x768xbf16>
    %get3A_3 = vector.shape_cast %get3A_2 : vector<2048x1x768xbf16> to vector<2048x768xbf16>
    %convert_element_type3A = arith.extf %get3A_3 : vector<2048x768xbf16> to vector<2048x768xf32>
    %get3A_4 = arith.constant 0 : index
    %get3A_5 = arith.constant 1 : index
    %get3A_6 = arith.constant 0 : index
    %get3A_7 = vector.load %arg0[%get3A_4, %get3A_5, %get3A_6] : memref<2048x2x768xbf16, #tpu.memory_space<vmem>>, vector<2048x1x768xbf16>
    %get3A_8 = vector.shape_cast %get3A_7 : vector<2048x1x768xbf16> to vector<2048x768xbf16>
    %convert_element_type3A_9 = arith.extf %get3A_8 : vector<2048x768xbf16> to vector<2048x768xf32>
    %add3A = arith.addf %convert_element_type3A, %convert_element_type3A_9 : vector<2048x768xf32>
    %swap3A = arith.constant 0 : index
    %swap3A_10 = arith.constant 0 : index
    %swap3A_11 = vector.load %arg1[%swap3A, %swap3A_10] : memref<2048x768xf32, #tpu.memory_space<vmem>>, vector<2048x768xf32>
    tpu.vector_store %arg1[%swap3A, %swap3A_10], %add3A {strides = array<i32>} : memref<2048x768xf32, #tpu.memory_space<vmem>>, vector<2048x768xf32>,
    return
  }
}

</mosaic_0001>

<sc_bundles>
// kernel: kernel.10.cloned.1.call-start
scs
__scs_entry_jumppad:
0x0: {  	(pc) =	sbr.rel $0x88, $3  }
0x1: {  	(tag) =	ssettag $0x0;
	lr =	simm.s32 $0x1  }
0x2: {  	[smem:$0x3F9D] =	sst lr;
	_ =	strace $0xD0000000  }
0x3: {  	_ = 	snop  }
0x4: {  	_ = 	snop  }
0x5: {  	_ = 	snop  }
0x6: {  	_ = 	snop  }
0x7: {  	_ = 	snop  }
__scs_overlays_trampoline_lowered:
0x8: {  	[smem:$0x3FAC] =	sst s0  }
0x9: {  	[smem:$0x3FAD] =	sst s1  }
0xa: {  	[smem:$0x3FAE] =	sst s2  }
0xb: {  	[smem:$0x3FAF] =	sst s3  }
0xc: {  	[smem:$0x3FB0] =	sst s4  }
0xd: {  	[smem:$0x3FB1] =	sst s5  }
0xe: {  	[smem:$0x3FB2] =	sst s6  }
0xf: {  	[smem:$0x3FB3] =	sst s7  }
0x10: {  	[smem:$0x3FB4] =	sst s8  }
0x11: {  	[smem:$0x3FB5] =	sst s9;
	s0 =	simm.s32 @!p0 $0x0  }
0x12: {  	s1 =	sld [smem:$0x3F9B];
	s0 =	simm.s32 @p0 $0x1  }
0x13: {  	[smem:$0x3FB6] =	sst s0;
	s0 =	simm.s32 @!p1 $0x0  }
0x14: {  	s2 =	sld [smem:$0x3F9A];
	s0 =	simm.s32 @p1 $0x1  }
0x15: {  	[smem:$0x3FB7] =	sst s0;
	s0 =	simm.s32 @!p2 $0x0  }
0x16: {  	s3 =	sld [smem:$0x3FDB];
	s0 =	simm.s32 @p2 $0x1  }
0x17: {  	s4 =	simm.s32 $0x1BF5;
	[smem:$0x3FB9] =	sst s0  }
0x18: {  	s0 =	sld [smem:$0x3F9C];
	_ =	swait.ge [sflag:s4], $0x0  }
0x19: {  	s7 =	sld [smem:$0x3F9D]  }
0x1a: {  	s8 =	sadd.s32 $0xFFFFE003, lr  }
0x1b: {  	s9 =	sadd.s32 $0xFFFFFEF7, lr;
	s5 =	simm.s32 $0xFFFFFFFF;
	p2 =	slt.u32 s8, $0xFFFFF086  }
0x1c: {  	p1 =	slt.u32 s9, $0xF7A;
	s5 =	simm.s32 @!p2 $0x0  }
0x1d: {  	s5 =	simm.s32 @p1 $0x1;
	p0 =	seq.s32 s7, s2  }
0x1e: {  	s7 =	smul.u32 @!p0 $0xF7A, s2;
	p2 =	seq.s32 @!p0 s5, $0x0  }
0x1f: {  	s9 =	smul.u32 $0xF7A, s1;
	s8 =	simm.s32 @!p0 $0x1BF5;
	p2 =	por !p2, p0  }
0x20: {  	[sflag:s8] =	ssyncset.s32 @!p0 $0xFFFFF086;
	s6 =	sadd.s32 @!p0 s3, s7;
	s7 =	simm.s32 @!p0 $0x108  }
0x21: {  	s3 =	sadd.s32 s3, s9;
	s6 =	sadd.s32 @!p0 $0x88, s6;
	s7 =	simm.s32 @p2 $0x1082  }
0x22: {  	[simem:s7], [sflag:s8] =	dma.local @!p0 [hbm:s6], $0xF7A  }
0x23: {  	s9 =	sor.u32 $0xD0000000, s2;
	s6 =	simm.s32 $0x108;
	_ =	swait.ge @!p0 [sflag:s8], $0x0  }
0x24: {  	s3 =	sadd.s32 $0x88, s3;
	s6 =	simm.s32 @!p1 $0x1082;
	[sflag:s4] =	ssyncset.s32 $0xFFFFF086  }
0x25: {  	[simem:s6], [sflag:s4] =	dma.local [hbm:s3], $0xF7A  }
0x26: {  	[smem:$0x3F9D] =	sst s1;
	(tag) =	ssettag s2;
	_ =	strace s9  }
0x27: {  	s1 =	sld [smem:$0x3FAD]  }
0x28: {  	s2 =	sld [smem:$0x3FAE]  }
0x29: {  	s4 =	sld [smem:$0x3FB0]  }
0x2a: {  	p0 =	seq.s32 s5, $0x0;
	s5 =	sld [smem:$0x3FB1]  }
0x2b: {  	s6 =	sld [smem:$0x3FB2]  }
0x2c: {  	s7 =	sld [smem:$0x3FB3]  }
0x2d: {  	s3 =	simm.s32 $0x108;
	s8 =	sld [smem:$0x3FB4]  }
0x2e: {  	s3 =	simm.s32 @!p0 $0x1082;
	s9 =	sld [smem:$0x3FB5]  }
0x2f: {  	lr =	sadd.s32 s0, s3;
	s0 =	sld [smem:$0x3FAC]  }
0x30: {  	s3 =	sld [smem:$0x3FAF]  }
0x31: {  	[smem:$0x3FB8] =	sst s10  }
0x32: {  	s10 =	sld [smem:$0x3FB6];
	_ =	sdelay $0x3  }
0x33: {  	p0 =	seq.s32 s10, $0x1;
	s10 =	sld [smem:$0x3FB8];
	_ =	sdelay $0x3  }
0x34: {  	[smem:$0x3FB8] =	sst s10  }
0x35: {  	s10 =	sld [smem:$0x3FB7];
	_ =	sdelay $0x3  }
0x36: {  	p1 =	seq.s32 s10, $0x1;
	s10 =	sld [smem:$0x3FB8];
	_ =	sdelay $0x3  }
0x37: {  	[smem:$0x3FB8] =	sst s10  }
0x38: {  	s10 =	sld [smem:$0x3FB9]  }
0x39: {  	_ = 	snop;
	(pc) =	sbr.ind lr, $3  }
0x3a: {  	_ = 	snop  }
0x3b: {  	_ = 	snop  }
0x3c: {  	p2 =	seq.s32 s10, $0x1;
	s10 =	sld [smem:$0x3FB8]  }
0x3d: {  	_ =	shalt  }
0x3e: {  	_ =	shalt  }
0x3f: {  	_ =	shalt  }
0x40: {  	_ =	shalt  }
0x41: {  	_ =	shalt  }
0x42: {  	_ =	shalt  }
0x43: {  	_ =	shalt  }
0x44: {  	_ =	shalt  }
0x45: {  	_ =	shalt  }
0x46: {  	_ =	shalt  }
0x47: {  	_ =	shalt  }
0x48: {  	_ =	shalt  }
0x49: {  	_ =	shalt  }
0x4a: {  	_ =	shalt  }
0x4b: {  	_ =	shalt  }
0x4c: {  	_ =	shalt  }
0x4d: {  	_ =	shalt  }
0x4e: {  	_ =	shalt  }
0x4f: {  	_ =	shalt  }
0x50: {  	_ =	shalt  }
0x51: {  	_ =	shalt  }
0x52: {  	_ =	shalt  }
0x53: {  	_ =	shalt  }
0x54: {  	_ =	shalt  }
0x55: {  	_ =	shalt  }
0x56: {  	_ =	shalt  }
0x57: {  	_ =	shalt  }
0x58: {  	_ =	shalt  }
0x59: {  	_ =	shalt  }
0x5a: {  	_ =	shalt  }
0x5b: {  	_ =	shalt  }
0x5c: {  	_ =	shalt  }
0x5d: {  	_ =	shalt  }
0x5e: {  	_ =	shalt  }
0x5f: {  	_ =	shalt  }
0x60: {  	_ =	shalt  }
0x61: {  	_ =	shalt  }
0x62: {  	_ =	shalt  }
0x63: {  	_ =	shalt  }
0x64: {  	_ =	shalt  }
0x65: {  	_ =	shalt  }
0x66: {  	_ =	shalt  }
0x67: {  	_ =	shalt  }
0x68: {  	_ =	shalt  }
0x69: {  	_ =	shalt  }
0x6a: {  	_ =	shalt  }
0x6b: {  	_ =	shalt  }
0x6c: {  	_ =	shalt  }
0x6d: {  	_ =	shalt  }
0x6e: {  	_ =	shalt  }
0x6f: {  	_ =	shalt  }
0x70: {  	_ =	shalt  }
0x71: {  	_ =	shalt  }
0x72: {  	_ =	shalt  }
0x73: {  	_ =	shalt  }
0x74: {  	_ =	shalt  }
0x75: {  	_ =	shalt  }
0x76: {  	_ =	shalt  }
0x77: {  	_ =	shalt  }
0x78: {  	_ =	shalt  }
0x79: {  	_ =	shalt  }
0x7a: {  	_ =	shalt  }
0x7b: {  	_ =	shalt  }
0x7c: {  	_ =	shalt  }
0x7d: {  	_ =	shalt  }
0x7e: {  	_ =	shalt  }
0x7f: {  	_ =	shalt  }
0x80: {  	_ =	shalt  }
0x81: {  	_ =	shalt  }
0x82: {  	_ =	shalt  }
0x83: {  	_ =	shalt  }
0x84: {  	_ =	shalt  }
0x85: {  	_ =	shalt  }
0x86: {  	_ =	shalt  }
0x87: {  	_ =	shalt  }
.Lfunc_end0:
.L_simem_size_0:
called_computation.1_lowered:
.L_overlay_start_0:
0x88: {  	s2 =	sld [smem:$0x3FD9]  }
0x89: {  	s3 =	sld [smem:$0x3FFE];
	_ =	sdelay $0x1  }
0x8a: {  	s1 =	srdreg.scid  }
0x8b: {  	s0 =	sand.u32 $0x1, s1  }
0x8c: {  	s17 =	sshll.u32 s0, $0xA;
	s2 =	sadd.s32 s3, s2  }
0x8d: {  	s2 =	sadd.s32 s2, s17  }
0x8e: {  	[smem:$0x3FC4] =	sst s2  }
0x8f: {  	_ = 	snop  }
0x90: {  	s2 =	sld [smem:$0x3FD0];
	(tm) =	ssettm $0x1  }
0x91: {  	s18 =	sld [smem:$0x3FFB];
	_ =	sdelay $0x3  }
0x92: {  	_ =	strace s18  }
0x93: {  	s3 =	sld [smem:$0x3FFC];
	_ =	sdelay $0x3  }
0x94: {  	_ =	strace s3  }
0x95: {  	s3 =	sld [smem:$0x3FFD];
	_ =	sdelay $0x3  }
0x96: {  	_ =	strace s3  }
0x97: {  	_ =	strace $0x8FFFFFFF  }
0x98: {  	s19 =	sld [smem:$0x3FDB];
	_ =	sdelay $0x1  }
0x99: {  	s4 =	simm.s32 $_scs_section_size  }
0x9a: {  	s5 =	simm.s32 $_size__tile_overlayer_lowered;
	s6 =	simm.s32 $_tile_overlayer_lowered  }
0x9b: {  	s22 =	simm.s32 $0x1BFF;
	s21 =	sshll.u32 s6, $0x1;
	s3 =	sadd.s32 s4, s19  }
0x9c: {  	s7 =	simm.s32 $0x0;
	s20 =	sshll.u32 s5, $0x1;
	s5 =	sadd.s32 s21, s3  }
0x9d: {  	[timem:s7], [sflag:s22] =	dma.local [hbm:s5], s20  }
0x9e: {  	_ =	swait.ge [sflag:s22], s20  }
0x9f: {  	s4 =	ssub.s32 $0x0, s20;
	[sflag:s22] =	ssyncset.done $0x0  }
0xa0: {  	[sflag:s22] =	ssyncadd.s32 s4;
	_ =	sdelay $0x1  }
0xa1: {  	s23 =	simm.s32 $0x1B8B  }
0xa2: {  	_ =	swait.ge [sflag:s23], $0x1  }
0xa3: {  	[sflag:s23] =	ssyncset.done $0x0  }
0xa4: {  	s25 =	simm.s32 $0x1B8E;
	s24 =	sld [smem:$0x3FFE];
	[sflag:s23] =	ssyncadd.s32 $0xFFFFFFFF  }
0xa5: {  	s26 =	simm.s32 $execute0_lowered;
	[smem:$0x3FD2] =	sst s25  }
0xa6: {  	s5 =	sshll.u32 s26, $0x1;
	_ =	strace $0x80000049;
	[dreg:$0x1] =	wrdreg $0xFFFFFFFF  }
0xa7: {  	s28 =	simm.s32 $_size_execute0_lowered;
	s3 =	sadd.s32 s3, s5;
	[dreg:$0x0] =	wrdreg $0x0  }
0xa8: {  	s5 =	sshll.u32 s28, $0x1;
	[dreg:$0x2] =	wrdreg s3  }
0xa9: {  	[dreg:$0x3] =	wrdreg s5  }
0xaa: {  	[dreg:$0x4] =	wrdreg $0xC0  }
0xab: {  	_ =	task [dreg:s7], $0x5FFFF  }
0xac: {  	[dreg:$0x1] =	wrdreg $0xFFFFFFFF  }
0xad: {  	[dreg:$0x0] =	wrdreg $0x60  }
0xae: {  	[dreg:$0x2] =	wrdreg s24  }
0xaf: {  	[dreg:$0x3] =	wrdreg s2  }
0xb0: {  	[dreg:$0x4] =	wrdreg $0x9  }
0xb1: {  	_ =	task.clear_ibuf [dreg:s7], $0x5FFFF;
	_ =	strace $0x90000049  }
0xb2: {  	s29 =	simm.s32 $0x9;
	_ =	strace $0x8000004B  }
0xb3: {  	_ =	swait.ge [sflag:s29], $0x1  }
0xb4: {  	[sflag:s29] =	ssyncadd.s32 $0xFFFFFFFF  }
0xb5: {  	_ =	strace $0x9000004B  }
0xb6: {  	_ =	sfence  }
0xb7: {  	s30 =	sld [smem:$0x0];
	_ =	sdelay $0x2  }
0xb8: {  	s31 =	sshll.u32 s1, $0xD;
	s1 =	sshrl.u32 s1, $0x2  }
0xb9: {  	s3 =	sand.u32 $0x4000, s31;
	s1 =	sadd.s32 s1, s30  }
0xba: {  	s0 =	sor.u32 s3, s0;
	s1 =	sshll.u32 s1, $0x11  }
0xbb: {  	s0 =	sor.u32 s1, s0  }
0xbc: {  	s0 =	sadd.s32 $0x8F2B, s0  }
0xbd: {  	[sflag:s0] =	ssyncadd.remote.s32 $0x1  }
0xbe: {  	_ =	sfence.sel $0xFFFF  }
0xbf: {  	[dreg:$0x0] =	wrdreg $0xFFFFFFFF;
	(pc) =	sbr.abs _section_cstart, $3  }
0xc0: {  	[dreg:$0x1] =	wrdreg $0xFFFFFFFF  }
0xc1: {  	_ =	task.clear_ibuf [dreg:s7], $0x2FFFF;
	_ =	strace $0x9FFFFFFF  }
0xc2: {  	(tm) =	ssettm $0x7FFFFFFF  }
0xc3: {  	_ =	shalt  }
tec
execute0_lowered:
.L_overlay_start_1:
0x0: {  	(tag) =	ssettag $0x1  }
0x1: {  	s1 =	srdreg.scid;
	s4 =	rddreg [dreg:$0x0]  }
0x2: {  	s0 =	stileid.u32;
	s3 =	rddreg [dreg:$0x1]  }
0x3: {  	s2 =	simm.s32 $0x0;
	s18 =	simm.s32 $0x880;
	s19 =	simm.s32 $0xC80  }
0x4: {  	s20 =	simm.s32 $0x1480;
	s21 =	simm.s32 $0x1880;
	s23 =	simm.s32 $0x2080  }
0x5: {  	s24 =	simm.s32 $0x2480;
	s25 =	simm.s32 $0x2C80;
	s26 =	simm.s32 $0x3080  }
0x6: {  	s7 =	simm.s32 $0x80;
	s9 =	simm.s32 $0x3C80;
	s10 =	simm.s32 $0x4480  }
0x7: {  	s11 =	simm.s32 $0x4880;
	s12 =	simm.s32 $0x5080;
	[smem:$0x7FF] =	sst s2  }
0x8: {  	s13 =	simm.s32 $0x5480;
	_ =	strace $0x8000004A;
	[dreg:$0x5] =	wrdreg s18  }
0x9: {  	s14 =	simm.s32 $0x5C80;
	s15 =	simm.s32 $0x6080;
	[dreg:$0x6] =	wrdreg s19  }
0xa: {  	s16 =	simm.s32 $0x6880;
	s17 =	simm.s32 $0x6C80;
	[dreg:$0x7] =	wrdreg s20  }
0xb: {  	s28 =	simm.s32 $0xA880;
	s29 =	simm.s32 $0xB080;
	[dreg:$0x8] =	wrdreg s21  }
0xc: {  	s30 =	simm.s32 $0xB480;
	s31 =	simm.s32 $0xBC80;
	[dreg:$0x9] =	wrdreg s23  }
0xd: {  	s1 =	sand.u32 $0x1, s1;
	s5 =	sshll.u32 s0, $0x5;
	[dreg:$0xa] =	wrdreg s24  }
0xe: {  	s6 =	sshll.u32 s1, $0x4;
	s1 =	ssub.s32 $0x2, s1;
	[dreg:$0xb] =	wrdreg s25  }
0xf: {  	[dreg:$0xc] =	wrdreg s26;
	s18 =	simm.s32 $0x7480;
	s19 =	simm.s32 $0x7880  }
0x10: {  	s20 =	simm.s32 $0x8080;
	s21 =	simm.s32 $0x8480;
	s23 =	simm.s32 $0x9080  }
0x11: {  	s24 =	simm.s32 $0x9880;
	s25 =	simm.s32 $0x9C80;
	s5 =	sor.u32 s6, s5  }
0x12: {  	s22 =	sshrl.u32 s1, $0x1;
	s6 =	sadd.s32 s5, s4;
	s5 =	smul.u32 $0x180, s5  }
0x13: {  	s26 =	simm.s32 $0xA480;
	s1 =	ssub.s32 s1, s22;
	s6 =	sadd.s32 $0x1200, s6  }
0x14: {  	v2 =	vlaneseq.u32;
	s22 =	simm.s32 $0x8C80;
	[dreg:$0x3] =	wrdreg s6;
	s3 =	sadd.s32 s3, s5  }
0x15: {  	vm0 =	vmmov $0xffff;
	vm1 =	vmmov $0xff;
	v1 =	vshrl.u32 v2, $0x3;
	s5 =	smax.u32 s1, $0x1;
	s6 =	simm.s32 $0x2;
	s1 =	simm.s32 $0x1  }
0x16: {  	v0 =	vand.u32 $0x7, v2;
	v2 =	vor.u32 $0x8, v2;
	v1 =	vmul.u32 $0x8, v1;
	[dreg:$0x4] =	wrdreg s3;
	s3 =	sadd.s32 $0x1400, s4;
	s4 =	sadd.s32 $0x1500, s4  }
.LBB2_1:
0x17: {  	s0 =	rddreg [dreg:$0x3]  }
0x18: {  	[tilespmem:s2], [sflag:$0x2] =	stream.linear.gather [hbm4b:s0+s2], $0x80, $0x38;
	[tilespmem:$0xC080] =	vst v63  }
0x19: {  	_ =	swait.ge [sflag:s6], $0x80  }
0x1a: {  	[sflag:s6] =	ssyncset.done $0x0  }
0x1b: {  	[sflag:s6] =	ssyncadd.s32 $0xFFFFFF80  }
0x1c: {  	v3 =	vld [tilespmem:$0x0];
	_ =	sdelay $0x4  }
0x1d: {  	v4 =	vshrl.u32 v3, $0x3  }
0x1e: {  	v4 =	vmul.u32 $0x18, v4  }
0x1f: {  	v3 =	vand.u32 $0x7, v3  }
0x20: {  	v3 =	vor.u32 v3, v4  }
0x21: {  	v4 =	vperm.xlane v3, v0;
	_ =	sdelay $0x1  }
0x22: {  	v4 =	vadd.s32 v1, v4;
	_ =	sdelay $0x1  }
0x23: {  	v3 =	vperm.xlane v3, v2;
	_ =	sdelay $0x1  }
0x24: {  	v3 =	vadd.s32 v1, v3  }
0x25: {  	[tilespmem:s7], [sflag:$0x1] =	stream.indirect_vreg.gather [hbm4b:s3+s2], $0x80, v4, vm0, $0xb8;
	[tilespmem:$0xC080] =	vst v63  }
0x26: {  	s0 =	rddreg [dreg:$0x5]  }
0x27: {  	[tilespmem:s0], [sflag:$0x1] =	stream.indirect_vreg.gather [hbm4b:s4+s2], $0x80, v4, vm1, $0xb8;
	[tilespmem:$0xC080] =	vst v63  }
0x28: {  	s8 =	rddreg [dreg:$0x6]  }
0x29: {  	[tilespmem:s8], [sflag:$0x1] =	stream.indirect_vreg.gather [hbm4b:s3+s2], $0x80, v3, vm0, $0xb8;
	[tilespmem:$0xC080] =	vst v63  }
0x2a: {  	s0 =	rddreg [dreg:$0x7]  }
0x2b: {  	[tilespmem:s0], [sflag:$0x1] =	stream.indirect_vreg.gather [hbm4b:s4+s2], $0x80, v3, vm1, $0xb8;
	[tilespmem:$0xC080] =	vst v63  }
0x2c: {  	v3 =	vld [tilespmem:$0x10];
	_ =	sdelay $0x4  }
0x2d: {  	v57 =	vshrl.u32 v3, $0x3  }
0x2e: {  	v4 =	vmul.u32 $0x18, v57  }
0x2f: {  	v3 =	vand.u32 $0x7, v3  }
0x30: {  	v3 =	vor.u32 v3, v4  }
0x31: {  	v4 =	vperm.xlane v3, v0;
	_ =	sdelay $0x1  }
0x32: {  	v4 =	vadd.s32 v1, v4;
	_ =	sdelay $0x1  }
0x33: {  	v3 =	vperm.xlane v3, v2;
	_ =	sdelay $0x1  }
0x34: {  	s0 =	rddreg [dreg:$0x8];
	v3 =	vadd.s32 v1, v3  }
0x35: {  	[tilespmem:s0], [sflag:$0x1] =	stream.indirect_vreg.gather [hbm4b:s3+s2], $0x80, v4, vm0, $0xb8;
	[tilespmem:$0xC080] =	vst v63  }
0x36: {  	s8 =	rddreg [dreg:$0x9]  }
0x37: {  	[tilespmem:s8], [sflag:$0x1] =	stream.indirect_vreg.gather [hbm4b:s4+s2], $0x80, v4, vm1, $0xb8;
	[tilespmem:$0xC080] =	vst v63  }
0x38: {  	s0 =	rddreg [dreg:$0xa]  }
0x39: {  	[tilespmem:s0], [sflag:$0x1] =	stream.indirect_vreg.gather [hbm4b:s3+s2], $0x80, v3, vm0, $0xb8;
	[tilespmem:$0xC080] =	vst v63  }
0x3a: {  	s8 =	rddreg [dreg:$0xb]  }
0x3b: {  	[tilespmem:s8], [sflag:$0x1] =	stream.indirect_vreg.gather [hbm4b:s4+s2], $0x80, v3, vm1, $0xb8;
	[tilespmem:$0xC080] =	vst v63  }
0x3c: {  	v3 =	vld [tilespmem:$0x20];
	_ =	sdelay $0x4  }
0x3d: {  	v58 =	vshrl.u32 v3, $0x3  }
0x3e: {  	v4 =	vmul.u32 $0x18, v58  }
0x3f: {  	v3 =	vand.u32 $0x7, v3  }
0x40: {  	v3 =	vor.u32 v3, v4  }
0x41: {  	v4 =	vperm.xlane v3, v0;
	_ =	sdelay $0x1  }
0x42: {  	v4 =	vadd.s32 v1, v4;
	_ =	sdelay $0x1  }
0x43: {  	v3 =	vperm.xlane v3, v2;
	_ =	sdelay $0x1  }
0x44: {  	s8 =	rddreg [dreg:$0xc];
	v3 =	vadd.s32 v1, v3  }
0x45: {  	[tilespmem:s8], [sflag:$0x1] =	stream.indirect_vreg.gather [hbm4b:s3+s2], $0x80, v4, vm0, $0xb8;
	[tilespmem:$0xC080] =	vst v63  }
0x46: {  	s8 =	simm.s32 $0x3880  }
0x47: {  	[tilespmem:s8], [sflag:$0x1] =	stream.indirect_vreg.gather [hbm4b:s4+s2], $0x80, v4, vm1, $0xb8;
	[tilespmem:$0xC080] =	vst v63  }
0x48: {  	_ = 	snop  }
0x49: {  	[tilespmem:s9], [sflag:$0x1] =	stream.indirect_vreg.gather [hbm4b:s3+s2], $0x80, v3, vm0, $0xb8;
	[tilespmem:$0xC080] =	vst v63  }
0x4a: {  	_ = 	snop  }
0x4b: {  	[tilespmem:s10], [sflag:$0x1] =	stream.indirect_vreg.gather [hbm4b:s4+s2], $0x80, v3, vm1, $0xb8;
	[tilespmem:$0xC080] =	vst v63  }
0x4c: {  	v3 =	vld [tilespmem:$0x30];
	_ =	sdelay $0x4  }
0x4d: {  	v59 =	vshrl.u32 v3, $0x3  }
0x4e: {  	v4 =	vmul.u32 $0x18, v59  }
0x4f: {  	v3 =	vand.u32 $0x7, v3  }
0x50: {  	v3 =	vor.u32 v3, v4  }
0x51: {  	v4 =	vperm.xlane v3, v0;
	_ =	sdelay $0x1  }
0x52: {  	v4 =	vadd.s32 v1, v4;
	_ =	sdelay $0x1  }
0x53: {  	v3 =	vperm.xlane v3, v2;
	_ =	sdelay $0x1  }
0x54: {  	v3 =	vadd.s32 v1, v3  }
0x55: {  	[tilespmem:s11], [sflag:$0x1] =	stream.indirect_vreg.gather [hbm4b:s3+s2], $0x80, v4, vm0, $0xb8;
	[tilespmem:$0xC080] =	vst v63  }
0x56: {  	_ = 	snop  }
0x57: {  	[tilespmem:s12], [sflag:$0x1] =	stream.indirect_vreg.gather [hbm4b:s4+s2], $0x80, v4, vm1, $0xb8;
	[tilespmem:$0xC080] =	vst v63  }
0x58: {  	_ = 	snop  }
0x59: {  	[tilespmem:s13], [sflag:$0x1] =	stream.indirect_vreg.gather [hbm4b:s3+s2], $0x80, v3, vm0, $0xb8;
	[tilespmem:$0xC080] =	vst v63  }
0x5a: {  	_ = 	snop  }
0x5b: {  	[tilespmem:s14], [sflag:$0x1] =	stream.indirect_vreg.gather [hbm4b:s4+s2], $0x80, v3, vm1, $0xb8;
	[tilespmem:$0xC080] =	vst v63  }
0x5c: {  	v3 =	vld [tilespmem:$0x40];
	_ =	sdelay $0x4  }
0x5d: {  	v60 =	vshrl.u32 v3, $0x3  }
0x5e: {  	v4 =	vmul.u32 $0x18, v60  }
0x5f: {  	v3 =	vand.u32 $0x7, v3  }
0x60: {  	v3 =	vor.u32 v3, v4  }
0x61: {  	v4 =	vperm.xlane v3, v0;
	_ =	sdelay $0x1  }
0x62: {  	v4 =	vadd.s32 v1, v4;
	_ =	sdelay $0x1  }
0x63: {  	v3 =	vperm.xlane v3, v2;
	_ =	sdelay $0x1  }
0x64: {  	v3 =	vadd.s32 v1, v3  }
0x65: {  	[tilespmem:s15], [sflag:$0x1] =	stream.indirect_vreg.gather [hbm4b:s3+s2], $0x80, v4, vm0, $0xb8;
	[tilespmem:$0xC080] =	vst v63  }
0x66: {  	_ = 	snop  }
0x67: {  	[tilespmem:s16], [sflag:$0x1] =	stream.indirect_vreg.gather [hbm4b:s4+s2], $0x80, v4, vm1, $0xb8;
	[tilespmem:$0xC080] =	vst v63  }
0x68: {  	_ = 	snop  }
0x69: {  	[tilespmem:s17], [sflag:$0x1] =	stream.indirect_vreg.gather [hbm4b:s3+s2], $0x80, v3, vm0, $0xb8;
	[tilespmem:$0xC080] =	vst v63  }
0x6a: {  	_ = 	snop  }
0x6b: {  	[tilespmem:s18], [sflag:$0x1] =	stream.indirect_vreg.gather [hbm4b:s4+s2], $0x80, v3, vm1, $0xb8;
	[tilespmem:$0xC080] =	vst v63  }
0x6c: {  	v3 =	vld [tilespmem:$0x50];
	_ =	sdelay $0x4  }
0x6d: {  	v61 =	vshrl.u32 v3, $0x3  }
0x6e: {  	v4 =	vmul.u32 $0x18, v61  }
0x6f: {  	v3 =	vand.u32 $0x7, v3  }
0x70: {  	v3 =	vor.u32 v3, v4  }
0x71: {  	v4 =	vperm.xlane v3, v0;
	_ =	sdelay $0x1  }
0x72: {  	v4 =	vadd.s32 v1, v4;
	_ =	sdelay $0x1  }
0x73: {  	v3 =	vperm.xlane v3, v2;
	_ =	sdelay $0x1  }
0x74: {  	v3 =	vadd.s32 v1, v3  }
0x75: {  	[tilespmem:s19], [sflag:$0x1] =	stream.indirect_vreg.gather [hbm4b:s3+s2], $0x80, v4, vm0, $0xb8;
	[tilespmem:$0xC080] =	vst v63  }
0x76: {  	_ = 	snop  }
0x77: {  	[tilespmem:s20], [sflag:$0x1] =	stream.indirect_vreg.gather [hbm4b:s4+s2], $0x80, v4, vm1, $0xb8;
	[tilespmem:$0xC080] =	vst v63  }
0x78: {  	_ = 	snop  }
0x79: {  	[tilespmem:s21], [sflag:$0x1] =	stream.indirect_vreg.gather [hbm4b:s3+s2], $0x80, v3, vm0, $0xb8;
	[tilespmem:$0xC080] =	vst v63  }
0x7a: {  	_ = 	snop  }
0x7b: {  	[tilespmem:s22], [sflag:$0x1] =	stream.indirect_vreg.gather [hbm4b:s4+s2], $0x80, v3, vm1, $0xb8;
	[tilespmem:$0xC080] =	vst v63  }
0x7c: {  	v3 =	vld [tilespmem:$0x60];
	_ =	sdelay $0x4  }
0x7d: {  	v62 =	vshrl.u32 v3, $0x3  }
0x7e: {  	v4 =	vmul.u32 $0x18, v62  }
0x7f: {  	v3 =	vand.u32 $0x7, v3  }
0x80: {  	v3 =	vor.u32 v3, v4  }
0x81: {  	v4 =	vperm.xlane v3, v0;
	_ =	sdelay $0x1  }
0x82: {  	v4 =	vadd.s32 v1, v4;
	_ =	sdelay $0x1  }
0x83: {  	v3 =	vperm.xlane v3, v2;
	_ =	sdelay $0x1  }
0x84: {  	v3 =	vadd.s32 v1, v3  }
0x85: {  	[tilespmem:s23], [sflag:$0x1] =	stream.indirect_vreg.gather [hbm4b:s3+s2], $0x80, v4, vm0, $0xb8;
	[tilespmem:$0xC080] =	vst v63  }
0x86: {  	_ = 	snop  }
0x87: {  	[tilespmem:s24], [sflag:$0x1] =	stream.indirect_vreg.gather [hbm4b:s4+s2], $0x80, v4, vm1, $0xb8;
	[tilespmem:$0xC080] =	vst v63  }
0x88: {  	_ = 	snop  }
0x89: {  	[tilespmem:s25], [sflag:$0x1] =	stream.indirect_vreg.gather [hbm4b:s3+s2], $0x80, v3, vm0, $0xb8;
	[tilespmem:$0xC080] =	vst v63  }
0x8a: {  	_ = 	snop  }
0x8b: {  	[tilespmem:s26], [sflag:$0x1] =	stream.indirect_vreg.gather [hbm4b:s4+s2], $0x80, v3, vm1, $0xb8;
	[tilespmem:$0xC080] =	vst v63  }
0x8c: {  	v3 =	vld [tilespmem:$0x70];
	_ =	sdelay $0x4  }
0x8d: {  	v63 =	vshrl.u32 v3, $0x3  }
0x8e: {  	v4 =	vmul.u32 $0x18, v63  }
0x8f: {  	v3 =	vand.u32 $0x7, v3  }
0x90: {  	v3 =	vor.u32 v3, v4  }
0x91: {  	v4 =	vperm.xlane v3, v0;
	_ =	sdelay $0x1  }
0x92: {  	v4 =	vadd.s32 v1, v4;
	_ =	sdelay $0x1  }
0x93: {  	v3 =	vperm.xlane v3, v2;
	_ =	sdelay $0x1  }
0x94: {  	v3 =	vadd.s32 v1, v3  }
0x95: {  	[tilespmem:s28], [sflag:$0x1] =	stream.indirect_vreg.gather [hbm4b:s3+s2], $0x80, v4, vm0, $0xb8;
	[tilespmem:$0xC080] =	vst v63  }
0x96: {  	_ = 	snop  }
0x97: {  	[tilespmem:s29], [sflag:$0x1] =	stream.indirect_vreg.gather [hbm4b:s4+s2], $0x80, v4, vm1, $0xb8;
	[tilespmem:$0xC080] =	vst v63  }
0x98: {  	_ = 	snop  }
0x99: {  	[tilespmem:s30], [sflag:$0x1] =	stream.indirect_vreg.gather [hbm4b:s3+s2], $0x80, v3, vm0, $0xb8;
	[tilespmem:$0xC080] =	vst v63  }
0x9a: {  	_ = 	snop  }
0x9b: {  	[tilespmem:s31], [sflag:$0x1] =	stream.indirect_vreg.gather [hbm4b:s4+s2], $0x80, v3, vm1, $0xb8;
	[tilespmem:$0xC080] =	vst v63  }
0x9c: {  	_ =	swait.ge [sflag:s1], $0xC000  }
0x9d: {  	p0 =	sne.s32 s5, $0x1;
	[sflag:s1] =	ssyncset.done $0x0  }
.Ltmp0:
0x9e: {  	s8 =	rddreg [dreg:$0x4];
	[sflag:s1] =	ssyncadd.s32 $0xFFFF4000;
	(pc) =	sbr.rel @p0 .LBB2_1-.Ltmp0, $4  }
0x9f: {  	[hbm4b:s8+s2] =	stream.linear.scatter [tilespmem:s7], [sflag:$0x2], $0xC000, $0x38;
	[tilespmem:$0xC080] =	vst v63  }
0xa0: {  	_ =	swait.ge [sflag:s6], $0xC000  }
0xa1: {  	[sflag:s6] =	ssyncset.done $0x0  }
0xa2: {  	s5 =	sadd.s32 $0xFFFFFFFF, s5;
	[sflag:s6] =	ssyncadd.s32 $0xFFFF4000  }
0xa3: {  	_ =	sfence.sel $0x180000  }
0xa4: {  	[bflag:$0x0] =	sbarrier.arrive $0xFFFF  }
0xa5: {  	_ =	strace $0x9000004A  }
0xa6: {  	s0 =	stileid.u32;
	[bflag:$0x2] =	sbarrier.arrive $0xFFFF  }
0xa7: {  	p0 =	sne.s32 s0, $0x0;
	s0 =	rddreg [dreg:$0x2]  }
0xa8: {  	s0 =	sadd.s32 @!p0 $0x100000, s0  }
0xa9: {  	[sflag:s0] =	ssyncadd.tile.s32 @!p0 $0x1;
	_ =	shalt  }
.Lfunc_end2:
_tile_overlayer_lowered:
.L_overlay_start_2:
0xaa: {  	(tag) =	ssettag $0x2  }
0xab: {  	s0 =	rddreg [dreg:$0x0];
	s2 =	stileid.u32  }
0xac: {  	s1 =	rddreg [dreg:$0x1];
	p0 =	sne.s32 s2, $0x0  }
0xad: {  	s3 =	rddreg [dreg:$0x2];
	[bflag:$0x3] =	sbarrier.arrive $0xFFFF;
	s2 =	simm.s32 @!p0 $0x1C02  }
0xae: {  	[timem:s3], [sflag:s2] =	dma.local @!p0 [hbm:s0], s1  }
0xaf: {  	s0 =	simm.s32 @!p0 $0x2  }
0xb0: {  	_ =	swait.ge @!p0 [sflag:s0], s1  }
0xb1: {  	s1 =	ssub.s32 @!p0 $0x0, s1;
	[sflag:s0] =	ssyncset.done @!p0 $0x0  }
0xb2: {  	[sflag:s0] =	ssyncadd.s32 @!p0 s1  }
0xb3: {  	[bflag:$0x3] =	sbarrier.arrive $0xFFFF  }
0xb4: {  	_ =	shalt  }

// kernel: kernel.7.cloned.1.call-start
scs
__scs_entry_jumppad:
0x0: {  	(pc) =	sbr.rel $0x88, $3  }
0x1: {  	(tag) =	ssettag $0x0;
	lr =	simm.s32 $0x1  }
0x2: {  	[smem:$0x3F9D] =	sst lr;
	_ =	strace $0xD0000000  }
0x3: {  	_ = 	snop  }
0x4: {  	_ = 	snop  }
0x5: {  	_ = 	snop  }
0x6: {  	_ = 	snop  }
0x7: {  	_ = 	snop  }
__scs_overlays_trampoline_lowered:
0x8: {  	[smem:$0x3FAC] =	sst s0  }
0x9: {  	[smem:$0x3FAD] =	sst s1  }
0xa: {  	[smem:$0x3FAE] =	sst s2  }
0xb: {  	[smem:$0x3FAF] =	sst s3  }
0xc: {  	[smem:$0x3FB0] =	sst s4  }
0xd: {  	[smem:$0x3FB1] =	sst s5  }
0xe: {  	[smem:$0x3FB2] =	sst s6  }
0xf: {  	[smem:$0x3FB3] =	sst s7  }
0x10: {  	[smem:$0x3FB4] =	sst s8  }
0x11: {  	[smem:$0x3FB5] =	sst s9;
	s0 =	simm.s32 @!p0 $0x0  }
0x12: {  	s1 =	sld [smem:$0x3F9B];
	s0 =	simm.s32 @p0 $0x1  }
0x13: {  	[smem:$0x3FB6] =	sst s0;
	s0 =	simm.s32 @!p1 $0x0  }
0x14: {  	s2 =	sld [smem:$0x3F9A];
	s0 =	simm.s32 @p1 $0x1  }
0x15: {  	[smem:$0x3FB7] =	sst s0;
	s0 =	simm.s32 @!p2 $0x0  }
0x16: {  	s3 =	sld [smem:$0x3FDB];
	s0 =	simm.s32 @p2 $0x1  }
0x17: {  	s4 =	simm.s32 $0x1BF5;
	[smem:$0x3FB9] =	sst s0  }
0x18: {  	s0 =	sld [smem:$0x3F9C];
	_ =	swait.ge [sflag:s4], $0x0  }
0x19: {  	s7 =	sld [smem:$0x3F9D]  }
0x1a: {  	s8 =	sadd.s32 $0xFFFFE003, lr  }
0x1b: {  	s9 =	sadd.s32 $0xFFFFFEF7, lr;
	s5 =	simm.s32 $0xFFFFFFFF;
	p2 =	slt.u32 s8, $0xFFFFF086  }
0x1c: {  	p1 =	slt.u32 s9, $0xF7A;
	s5 =	simm.s32 @!p2 $0x0  }
0x1d: {  	s5 =	simm.s32 @p1 $0x1;
	p0 =	seq.s32 s7, s2  }
0x1e: {  	s7 =	smul.u32 @!p0 $0xF7A, s2;
	p2 =	seq.s32 @!p0 s5, $0x0  }
0x1f: {  	s9 =	smul.u32 $0xF7A, s1;
	s8 =	simm.s32 @!p0 $0x1BF5;
	p2 =	por !p2, p0  }
0x20: {  	[sflag:s8] =	ssyncset.s32 @!p0 $0xFFFFF086;
	s6 =	sadd.s32 @!p0 s3, s7;
	s7 =	simm.s32 @!p0 $0x108  }
0x21: {  	s3 =	sadd.s32 s3, s9;
	s6 =	sadd.s32 @!p0 $0x88, s6;
	s7 =	simm.s32 @p2 $0x1082  }
0x22: {  	[simem:s7], [sflag:s8] =	dma.local @!p0 [hbm:s6], $0xF7A  }
0x23: {  	s9 =	sor.u32 $0xD0000000, s2;
	s6 =	simm.s32 $0x108;
	_ =	swait.ge @!p0 [sflag:s8], $0x0  }
0x24: {  	s3 =	sadd.s32 $0x88, s3;
	s6 =	simm.s32 @!p1 $0x1082;
	[sflag:s4] =	ssyncset.s32 $0xFFFFF086  }
0x25: {  	[simem:s6], [sflag:s4] =	dma.local [hbm:s3], $0xF7A  }
0x26: {  	[smem:$0x3F9D] =	sst s1;
	(tag) =	ssettag s2;
	_ =	strace s9  }
0x27: {  	s1 =	sld [smem:$0x3FAD]  }
0x28: {  	s2 =	sld [smem:$0x3FAE]  }
0x29: {  	s4 =	sld [smem:$0x3FB0]  }
0x2a: {  	p0 =	seq.s32 s5, $0x0;
	s5 =	sld [smem:$0x3FB1]  }
0x2b: {  	s6 =	sld [smem:$0x3FB2]  }
0x2c: {  	s7 =	sld [smem:$0x3FB3]  }
0x2d: {  	s3 =	simm.s32 $0x108;
	s8 =	sld [smem:$0x3FB4]  }
0x2e: {  	s3 =	simm.s32 @!p0 $0x1082;
	s9 =	sld [smem:$0x3FB5]  }
0x2f: {  	lr =	sadd.s32 s0, s3;
	s0 =	sld [smem:$0x3FAC]  }
0x30: {  	s3 =	sld [smem:$0x3FAF]  }
0x31: {  	[smem:$0x3FB8] =	sst s10  }
0x32: {  	s10 =	sld [smem:$0x3FB6];
	_ =	sdelay $0x3  }
0x33: {  	p0 =	seq.s32 s10, $0x1;
	s10 =	sld [smem:$0x3FB8];
	_ =	sdelay $0x3  }
0x34: {  	[smem:$0x3FB8] =	sst s10  }
0x35: {  	s10 =	sld [smem:$0x3FB7];
	_ =	sdelay $0x3  }
0x36: {  	p1 =	seq.s32 s10, $0x1;
	s10 =	sld [smem:$0x3FB8];
	_ =	sdelay $0x3  }
0x37: {  	[smem:$0x3FB8] =	sst s10  }
0x38: {  	s10 =	sld [smem:$0x3FB9]  }
0x39: {  	_ = 	snop;
	(pc) =	sbr.ind lr, $3  }
0x3a: {  	_ = 	snop  }
0x3b: {  	_ = 	snop  }
0x3c: {  	p2 =	seq.s32 s10, $0x1;
	s10 =	sld [smem:$0x3FB8]  }
0x3d: {  	_ =	shalt  }
0x3e: {  	_ =	shalt  }
0x3f: {  	_ =	shalt  }
0x40: {  	_ =	shalt  }
0x41: {  	_ =	shalt  }
0x42: {  	_ =	shalt  }
0x43: {  	_ =	shalt  }
0x44: {  	_ =	shalt  }
0x45: {  	_ =	shalt  }
0x46: {  	_ =	shalt  }
0x47: {  	_ =	shalt  }
0x48: {  	_ =	shalt  }
0x49: {  	_ =	shalt  }
0x4a: {  	_ =	shalt  }
0x4b: {  	_ =	shalt  }
0x4c: {  	_ =	shalt  }
0x4d: {  	_ =	shalt  }
0x4e: {  	_ =	shalt  }
0x4f: {  	_ =	shalt  }
0x50: {  	_ =	shalt  }
0x51: {  	_ =	shalt  }
0x52: {  	_ =	shalt  }
0x53: {  	_ =	shalt  }
0x54: {  	_ =	shalt  }
0x55: {  	_ =	shalt  }
0x56: {  	_ =	shalt  }
0x57: {  	_ =	shalt  }
0x58: {  	_ =	shalt  }
0x59: {  	_ =	shalt  }
0x5a: {  	_ =	shalt  }
0x5b: {  	_ =	shalt  }
0x5c: {  	_ =	shalt  }
0x5d: {  	_ =	shalt  }
0x5e: {  	_ =	shalt  }
0x5f: {  	_ =	shalt  }
0x60: {  	_ =	shalt  }
0x61: {  	_ =	shalt  }
0x62: {  	_ =	shalt  }
0x63: {  	_ =	shalt  }
0x64: {  	_ =	shalt  }
0x65: {  	_ =	shalt  }
0x66: {  	_ =	shalt  }
0x67: {  	_ =	shalt  }
0x68: {  	_ =	shalt  }
0x69: {  	_ =	shalt  }
0x6a: {  	_ =	shalt  }
0x6b: {  	_ =	shalt  }
0x6c: {  	_ =	shalt  }
0x6d: {  	_ =	shalt  }
0x6e: {  	_ =	shalt  }
0x6f: {  	_ =	shalt  }
0x70: {  	_ =	shalt  }
0x71: {  	_ =	shalt  }
0x72: {  	_ =	shalt  }
0x73: {  	_ =	shalt  }
0x74: {  	_ =	shalt  }
0x75: {  	_ =	shalt  }
0x76: {  	_ =	shalt  }
0x77: {  	_ =	shalt  }
0x78: {  	_ =	shalt  }
0x79: {  	_ =	shalt  }
0x7a: {  	_ =	shalt  }
0x7b: {  	_ =	shalt  }
0x7c: {  	_ =	shalt  }
0x7d: {  	_ =	shalt  }
0x7e: {  	_ =	shalt  }
0x7f: {  	_ =	shalt  }
0x80: {  	_ =	shalt  }
0x81: {  	_ =	shalt  }
0x82: {  	_ =	shalt  }
0x83: {  	_ =	shalt  }
0x84: {  	_ =	shalt  }
0x85: {  	_ =	shalt  }
0x86: {  	_ =	shalt  }
0x87: {  	_ =	shalt  }
.Lfunc_end0:
.L_simem_size_0:
called_computation_lowered:
.L_overlay_start_0:
0x88: {  	s2 =	sld [smem:$0x3FD9]  }
0x89: {  	s3 =	sld [smem:$0x3FFE];
	_ =	sdelay $0x1  }
0x8a: {  	s1 =	srdreg.scid  }
0x8b: {  	s0 =	sand.u32 $0x1, s1  }
0x8c: {  	s17 =	sshll.u32 s0, $0xA;
	s2 =	sadd.s32 s3, s2  }
0x8d: {  	s2 =	sadd.s32 s2, s17  }
0x8e: {  	[smem:$0x3FC4] =	sst s2  }
0x8f: {  	_ = 	snop  }
0x90: {  	s2 =	sld [smem:$0x3FD0];
	(tm) =	ssettm $0x1  }
0x91: {  	s18 =	sld [smem:$0x3FFB];
	_ =	sdelay $0x3  }
0x92: {  	_ =	strace s18  }
0x93: {  	s3 =	sld [smem:$0x3FFC];
	_ =	sdelay $0x3  }
0x94: {  	_ =	strace s3  }
0x95: {  	s3 =	sld [smem:$0x3FFD];
	_ =	sdelay $0x3  }
0x96: {  	_ =	strace s3  }
0x97: {  	_ =	strace $0x8FFFFFFF  }
0x98: {  	s19 =	sld [smem:$0x3FDB];
	_ =	sdelay $0x1  }
0x99: {  	s4 =	simm.s32 $_scs_section_size  }
0x9a: {  	s5 =	simm.s32 $_size__tile_overlayer_lowered;
	s6 =	simm.s32 $_tile_overlayer_lowered  }
0x9b: {  	s22 =	simm.s32 $0x1BFF;
	s21 =	sshll.u32 s6, $0x1;
	s3 =	sadd.s32 s4, s19  }
0x9c: {  	s7 =	simm.s32 $0x0;
	s20 =	sshll.u32 s5, $0x1;
	s5 =	sadd.s32 s21, s3  }
0x9d: {  	[timem:s7], [sflag:s22] =	dma.local [hbm:s5], s20  }
0x9e: {  	_ =	swait.ge [sflag:s22], s20  }
0x9f: {  	s4 =	ssub.s32 $0x0, s20;
	[sflag:s22] =	ssyncset.done $0x0  }
0xa0: {  	[sflag:s22] =	ssyncadd.s32 s4;
	_ =	sdelay $0x1  }
0xa1: {  	s23 =	simm.s32 $0x1B8B  }
0xa2: {  	_ =	swait.ge [sflag:s23], $0x1  }
0xa3: {  	[sflag:s23] =	ssyncset.done $0x0  }
0xa4: {  	s25 =	simm.s32 $0x1B8E;
	s24 =	sld [smem:$0x3FFE];
	[sflag:s23] =	ssyncadd.s32 $0xFFFFFFFF  }
0xa5: {  	s26 =	simm.s32 $execute0_lowered;
	[smem:$0x3FD2] =	sst s25  }
0xa6: {  	s5 =	sshll.u32 s26, $0x1;
	_ =	strace $0x80000046;
	[dreg:$0x1] =	wrdreg $0xFFFFFFFF  }
0xa7: {  	s28 =	simm.s32 $_size_execute0_lowered;
	s3 =	sadd.s32 s3, s5;
	[dreg:$0x0] =	wrdreg $0x0  }
0xa8: {  	s5 =	sshll.u32 s28, $0x1;
	[dreg:$0x2] =	wrdreg s3  }
0xa9: {  	[dreg:$0x3] =	wrdreg s5  }
0xaa: {  	[dreg:$0x4] =	wrdreg $0xC0  }
0xab: {  	_ =	task [dreg:s7], $0x5FFFF  }
0xac: {  	[dreg:$0x1] =	wrdreg $0xFFFFFFFF  }
0xad: {  	[dreg:$0x0] =	wrdreg $0x60  }
0xae: {  	[dreg:$0x2] =	wrdreg s2  }
0xaf: {  	[dreg:$0x3] =	wrdreg s24  }
0xb0: {  	[dreg:$0x4] =	wrdreg $0x127000  }
0xb1: {  	[dreg:$0x5] =	wrdreg $0x128800  }
0xb2: {  	[dreg:$0x6] =	wrdreg $0x9  }
0xb3: {  	_ =	task.clear_ibuf [dreg:s7], $0x7FFFF;
	_ =	strace $0x90000046  }
0xb4: {  	s29 =	simm.s32 $0x9;
	_ =	strace $0x80000048  }
0xb5: {  	_ =	swait.ge [sflag:s29], $0x1  }
0xb6: {  	[sflag:s29] =	ssyncadd.s32 $0xFFFFFFFF  }
0xb7: {  	_ =	strace $0x90000048  }
0xb8: {  	_ =	sfence  }
0xb9: {  	s30 =	sld [smem:$0x0];
	_ =	sdelay $0x2  }
0xba: {  	s31 =	sshll.u32 s1, $0xD;
	s1 =	sshrl.u32 s1, $0x2  }
0xbb: {  	s3 =	sand.u32 $0x4000, s31;
	s1 =	sadd.s32 s1, s30  }
0xbc: {  	s0 =	sor.u32 s3, s0;
	s1 =	sshll.u32 s1, $0x11  }
0xbd: {  	s0 =	sor.u32 s1, s0  }
0xbe: {  	s0 =	sadd.s32 $0x8F2B, s0  }
0xbf: {  	[sflag:s0] =	ssyncadd.remote.s32 $0x1  }
0xc0: {  	_ =	sfence.sel $0xFFFF  }
0xc1: {  	[dreg:$0x0] =	wrdreg $0xFFFFFFFF;
	(pc) =	sbr.abs _section_cstart, $3  }
0xc2: {  	[dreg:$0x1] =	wrdreg $0xFFFFFFFF  }
0xc3: {  	_ =	task.clear_ibuf [dreg:s7], $0x2FFFF;
	_ =	strace $0x9FFFFFFF  }
0xc4: {  	(tm) =	ssettm $0x7FFFFFFF  }
0xc5: {  	_ =	shalt  }
tec
execute0_lowered:
.L_overlay_start_1:
0x0: {  	(tag) =	ssettag $0x1  }
0x1: {  	s1 =	rddreg [dreg:$0x0]  }
0x2: {  	s6 =	rddreg [dreg:$0x1]  }
0x3: {  	s2 =	rddreg [dreg:$0x2]  }
0x4: {  	s3 =	rddreg [dreg:$0x3];
	s5 =	simm.s32 $0x0  }
0x5: {  	[smem:$0x7FF] =	sst s5;
	s11 =	sadd.s32 $0x49600, s6  }
0x6: {  	s24 =	simm.s32 $0x300;
	_ =	strace $0x80000047;
	[dreg:$0x5] =	wrdreg s11  }
0x7: {  	s25 =	simm.s32 $0x480;
	[dreg:$0xc] =	wrdreg s24  }
0x8: {  	s26 =	simm.s32 $0x200;
	[dreg:$0xd] =	wrdreg s25  }
0x9: {  	s14 =	simm.s32 $0x3300;
	[dreg:$0xe] =	wrdreg s26  }
0xa: {  	s15 =	simm.s32 $0x3700;
	[dreg:$0x18] =	wrdreg s14  }
0xb: {  	s16 =	simm.s32 $0x3F00;
	[dreg:$0x19] =	wrdreg s15  }
0xc: {  	s17 =	simm.s32 $0x4300;
	[dreg:$0x1a] =	wrdreg s16  }
0xd: {  	s0 =	stileid.u32;
	s18 =	simm.s32 $0x4B00;
	[dreg:$0x1b] =	wrdreg s17  }
0xe: {  	s7 =	srdreg.scid;
	s11 =	simm.s32 $0x2700;
	[dreg:$0x1c] =	wrdreg s18  }
0xf: {  	s28 =	simm.s32 $0x11700;
	s24 =	simm.s32 $0x6F00;
	[dreg:$0x16] =	wrdreg s11  }
0x10: {  	s9 =	sshll.u32 s0, $0x5;
	s25 =	simm.s32 $0x7300;
	[smem:$0x7F2] =	sst s24  }
0x11: {  	s9 =	sadd.s32 s9, s6;
	s26 =	simm.s32 $0x7B00;
	[smem:$0x7F3] =	sst s25  }
0x12: {  	s12 =	smul.u32 $0x180, s0;
	s19 =	sadd.s32 $0x1200, s9;
	[smem:$0x7F4] =	sst s26  }
0x13: {  	s29 =	simm.s32 $0x11B00;
	s9 =	sadd.s32 $0x1400, s9;
	[dreg:$0x6] =	wrdreg s19  }
0x14: {  	s30 =	simm.s32 $0x12300;
	s21 =	sadd.s32 s12, s2;
	[dreg:$0x7] =	wrdreg s9  }
0x15: {  	s31 =	simm.s32 $0x1;
	s22 =	sadd.s32 s12, s3;
	[dreg:$0x8] =	wrdreg s21  }
0x16: {  	s7 =	sand.u32 $0x1, s7;
	s24 =	simm.s32 $0xA300;
	[dreg:$0x9] =	wrdreg s22  }
0x17: {  	s8 =	sshll.u32 s0, $0x1;
	s25 =	simm.s32 $0xAB00;
	[smem:$0x7FB] =	sst s24  }
0x18: {  	s4 =	smov.u32 s3;
	s26 =	simm.s32 $0xAF00;
	[smem:$0x7FC] =	sst s25  }
0x19: {  	s8 =	sor.u32 s7, s8;
	s9 =	simm.s32 $0x1B00;
	[smem:$0x7FD] =	sst s26  }
0x1a: {  	s7 =	ssub.s32 $0x2, s7;
	s19 =	simm.s32 $0x4F00;
	[dreg:$0x14] =	wrdreg s9  }
0x1b: {  	s10 =	smul.u32 $0xC0, s8;
	s21 =	simm.s32 $0x5B00;
	[dreg:$0x1d] =	wrdreg s19  }
0x1c: {  	p0 =	sne.s32 s8, $0x0;
	s22 =	simm.s32 $0x6300;
	[dreg:$0x1f] =	wrdreg s21  }
0x1d: {  	s12 =	sshrl.u32 s7, $0x1;
	s23 =	sadd.s32 s10, s2;
	[smem:$0x7F0] =	sst s22  }
0x1e: {  	s8 =	sshll.u32 @!p0 s0, $0x6;
	s2 =	simm.s32 $0x600;
	[dreg:$0xa] =	wrdreg s23  }
0x1f: {  	s13 =	sshrl.u32 s10, $0x3;
	s10 =	simm.s32 $0x1F00;
	[dreg:$0x11] =	wrdreg s2  }
0x20: {  	s20 =	smul.u32 $0x180, s13;
	[dreg:$0x15] =	wrdreg s10;
	s13 =	simm.s32 $0x2B00  }
0x21: {  	s7 =	ssub.s32 s7, s12;
	s23 =	simm.s32 $0x6700;
	[dreg:$0x17] =	wrdreg s13  }
0x22: {  	s24 =	simm.s32 $0x10300;
	s2 =	simm.s32 $0x8700;
	[smem:$0x7F1] =	sst s23  }
0x23: {  	[smem:$0x7F6] =	sst s2;
	s6 =	sadd.s32 s20, s6;
	s20 =	simm.s32 $0x5700  }
0x24: {  	s25 =	simm.s32 $0x10B00;
	s6 =	sadd.s32 $0x1600, s6;
	[dreg:$0x1e] =	wrdreg s20  }
0x25: {  	s26 =	simm.s32 $0x10F00;
	[dreg:$0xb] =	wrdreg s6;
	s6 =	sor.u32 @!p0 $0x1C02, s8  }
0x26: {  	s7 =	smax.u32 s7, $0x1;
	s8 =	simm.s32 $0x1300;
	[dreg:$0xf] =	wrdreg s6  }
0x27: {  	s6 =	sshrl.u32 @!p0 s3, $0x3;
	s3 =	simm.s32 $0xF00;
	[dreg:$0x13] =	wrdreg s8  }
0x28: {  	s8 =	sshll.u32 s0, $0x8;
	s0 =	simm.s32 $0x7F00;
	[dreg:$0x10] =	wrdreg s6  }
0x29: {  	v20 =	vlaneseq.u32;
	v16 =	vimm.s32 $0x0;
	[dreg:$0x12] =	wrdreg s3;
	s9 =	sor.u32 $0x10, s8;
	s10 =	sor.u32 $0x20, s8  }
0x2a: {  	v17 =	vimm.f32 $0.0e+00;
	vm0 =	vmmov $0xffff;
	vm1 =	vmmov $0xff;
	s11 =	sor.u32 $0x30, s8;
	s12 =	sor.u32 $0x40, s8;
	s13 =	sor.u32 $0x50, s8  }
0x2b: {  	v19 =	vshrl.u32 v20, $0x3;
	v18 =	vand.u32 $0x7, v20;
	s14 =	sor.u32 $0x60, s8;
	s15 =	sor.u32 $0x70, s8;
	s16 =	sor.u32 $0x80, s8;
	v0 =	vor.u32 s8, v20  }
0x2c: {  	v19 =	vmul.u32 $0x8, v19;
	s17 =	sor.u32 $0x90, s8;
	s18 =	sor.u32 $0xA0, s8;
	s19 =	sor.u32 $0xB0, s8;
	v0 =	vshrl.u32 v0, $0x1;
	v1 =	vor.u32 s9, v20  }
0x2d: {  	s20 =	sor.u32 $0xC0, s8;
	s21 =	sor.u32 $0xD0, s8;
	[smem:$0x7F5] =	sst s0;
	v2 =	vor.u32 s10, v20;
	v3 =	vor.u32 s11, v20;
	v4 =	vor.u32 s12, v20  }
0x2e: {  	s22 =	sor.u32 $0xE0, s8;
	s3 =	simm.s32 $0x8B00;
	s23 =	sor.u32 $0xF0, s8;
	v5 =	vor.u32 s13, v20;
	v6 =	vor.u32 s14, v20;
	v7 =	vor.u32 s15, v20  }
0x2f: {  	s6 =	sadd.s32 $0x100, s1;
	s8 =	simm.s32 $0x2;
	[smem:$0x7F7] =	sst s3;
	v8 =	vor.u32 s16, v20;
	v9 =	vor.u32 s17, v20;
	v10 =	vor.u32 s18, v20  }
0x30: {  	s10 =	simm.s32 $0x9300;
	s11 =	simm.s32 $0x9700;
	s13 =	simm.s32 $0x9F00;
	v11 =	vor.u32 s19, v20;
	v12 =	vor.u32 s20, v20;
	v13 =	vor.u32 s21, v20  }
0x31: {  	s9 =	simm.s32 $0x100;
	s12 =	simm.s32 $0xBB00;
	s14 =	simm.s32 $0xC700;
	v14 =	vor.u32 s22, v20;
	v15 =	vor.u32 s23, v20;
	v20 =	vor.u32 $0x8, v20  }
0x32: {  	s15 =	simm.s32 $0xCF00;
	s16 =	simm.s32 $0xD300;
	s17 =	simm.s32 $0xDB00;
	v1 =	vshrl.u32 v1, $0x1;
	v2 =	vshrl.u32 v2, $0x1;
	v3 =	vshrl.u32 v3, $0x1  }
0x33: {  	s18 =	simm.s32 $0xDF00;
	s19 =	simm.s32 $0xE700;
	[smem:$0x7F8] =	sst s10;
	v4 =	vshrl.u32 v4, $0x1;
	v5 =	vshrl.u32 v5, $0x1;
	v6 =	vshrl.u32 v6, $0x1  }
0x34: {  	s20 =	simm.s32 $0xEB00;
	s21 =	simm.s32 $0xF300;
	[smem:$0x7F9] =	sst s11;
	v7 =	vshrl.u32 v7, $0x1;
	v8 =	vshrl.u32 v8, $0x1;
	v9 =	vshrl.u32 v9, $0x1  }
0x35: {  	s22 =	simm.s32 $0xF700;
	s23 =	simm.s32 $0xFF00;
	[smem:$0x7FA] =	sst s13;
	v10 =	vshrl.u32 v10, $0x1;
	v11 =	vshrl.u32 v11, $0x1;
	v12 =	vshrl.u32 v12, $0x1  }
0x36: {  	s10 =	simm.s32 $0x700;
	s11 =	simm.s32 $0xB700;
	s13 =	simm.s32 $0xC300;
	v13 =	vshrl.u32 v13, $0x1;
	v14 =	vshrl.u32 v14, $0x1;
	v15 =	vshrl.u32 v15, $0x1  }
.LBB2_1:
0x37: {  	s0 =	rddreg [dreg:$0x6]  }
0x38: {  	[tilespmem:s5], [sflag:$0x2] =	stream.linear.gather [hbm4b:s0+s5], $0x100, $0x38;
	[tilespmem:$0x12A00] =	vst v63  }
0x39: {  	_ =	swait.ge [sflag:s8], $0x100  }
0x3a: {  	[sflag:s8] =	ssyncset.done $0x0  }
0x3b: {  	s2 =	rddreg [dreg:$0x7];
	[sflag:s8] =	ssyncadd.s32 $0xFFFFFF00  }
0x3c: {  	[tilespmem:s9], [sflag:$0x2] =	stream.linear.gather [hbm4b:s2+s5], $0x100, $0x38;
	[tilespmem:$0x12A00] =	vst v63  }
0x3d: {  	_ =	swait.ge [sflag:s8], $0x100  }
0x3e: {  	[sflag:s8] =	ssyncset.done $0x0  }
0x3f: {  	[sflag:s8] =	ssyncadd.s32 $0xFFFFFF00  }
0x40: {  	[tilespmem:$0x300] =	vst v16  }
0x41: {  	[tilespmem:$0x480] =	vst v17  }
0x42: {  	[tilespmem:$0x310] =	vst v16  }
0x43: {  	[tilespmem:$0x490] =	vst v17  }
0x44: {  	[tilespmem:$0x320] =	vst v16  }
0x45: {  	[tilespmem:$0x4A0] =	vst v17  }
0x46: {  	[tilespmem:$0x330] =	vst v16  }
0x47: {  	[tilespmem:$0x4B0] =	vst v17  }
0x48: {  	[tilespmem:$0x340] =	vst v16  }
0x49: {  	[tilespmem:$0x4C0] =	vst v17  }
0x4a: {  	[tilespmem:$0x350] =	vst v16  }
0x4b: {  	[tilespmem:$0x4D0] =	vst v17  }
0x4c: {  	[tilespmem:$0x360] =	vst v16  }
0x4d: {  	[tilespmem:$0x4E0] =	vst v17  }
0x4e: {  	[tilespmem:$0x370] =	vst v16  }
0x4f: {  	[tilespmem:$0x4F0] =	vst v17  }
0x50: {  	[tilespmem:$0x380] =	vst v16  }
0x51: {  	[tilespmem:$0x500] =	vst v17  }
0x52: {  	[tilespmem:$0x390] =	vst v16  }
0x53: {  	[tilespmem:$0x510] =	vst v17  }
0x54: {  	[tilespmem:$0x3A0] =	vst v16  }
0x55: {  	[tilespmem:$0x520] =	vst v17  }
0x56: {  	[tilespmem:$0x3B0] =	vst v16  }
0x57: {  	[tilespmem:$0x530] =	vst v17  }
0x58: {  	[tilespmem:$0x3C0] =	vst v16  }
0x59: {  	[tilespmem:$0x540] =	vst v17  }
0x5a: {  	[tilespmem:$0x3D0] =	vst v16  }
0x5b: {  	[tilespmem:$0x550] =	vst v17  }
0x5c: {  	[tilespmem:$0x3E0] =	vst v16  }
0x5d: {  	[tilespmem:$0x560] =	vst v17  }
0x5e: {  	[tilespmem:$0x3F0] =	vst v16  }
0x5f: {  	[tilespmem:$0x570] =	vst v17  }
0x60: {  	[tilespmem:$0x400] =	vst v16  }
0x61: {  	[tilespmem:$0x580] =	vst v17  }
0x62: {  	[tilespmem:$0x410] =	vst v16  }
0x63: {  	[tilespmem:$0x590] =	vst v17  }
0x64: {  	[tilespmem:$0x420] =	vst v16  }
0x65: {  	[tilespmem:$0x5A0] =	vst v17  }
0x66: {  	[tilespmem:$0x430] =	vst v16  }
0x67: {  	[tilespmem:$0x5B0] =	vst v17  }
0x68: {  	[tilespmem:$0x440] =	vst v16  }
0x69: {  	[tilespmem:$0x5C0] =	vst v17  }
0x6a: {  	[tilespmem:$0x450] =	vst v16  }
0x6b: {  	[tilespmem:$0x5D0] =	vst v17  }
0x6c: {  	[tilespmem:$0x460] =	vst v16  }
0x6d: {  	[tilespmem:$0x5E0] =	vst v17  }
0x6e: {  	[tilespmem:$0x470] =	vst v16  }
0x6f: {  	[tilespmem:$0x5F0] =	vst v17  }
0x70: {  	[tilespmem:$0x200] =	vst v0  }
0x71: {  	[tilespmem:$0x210] =	vst v1  }
0x72: {  	[tilespmem:$0x220] =	vst v2  }
0x73: {  	[tilespmem:$0x230] =	vst v3  }
0x74: {  	[tilespmem:$0x240] =	vst v4  }
0x75: {  	[tilespmem:$0x250] =	vst v5  }
0x76: {  	[tilespmem:$0x260] =	vst v6  }
0x77: {  	[tilespmem:$0x270] =	vst v7  }
0x78: {  	[tilespmem:$0x280] =	vst v8  }
0x79: {  	[tilespmem:$0x290] =	vst v9  }
0x7a: {  	[tilespmem:$0x2A0] =	vst v10  }
0x7b: {  	[tilespmem:$0x2B0] =	vst v11  }
0x7c: {  	[tilespmem:$0x2C0] =	vst v12  }
0x7d: {  	[tilespmem:$0x2D0] =	vst v13  }
0x7e: {  	s3 =	rddreg [dreg:$0x8];
	[tilespmem:$0x2E0] =	vst v14  }
0x7f: {  	s2 =	rddreg [dreg:$0xc];
	[tilespmem:$0x2F0] =	vst v15  }
0x80: {  	[spmem:s3] =	stream.linear.scatter [tilespmem:s2], [sflag:$0x2], $0x180, $0x38;
	[tilespmem:$0x12A00] =	vst v63  }
0x81: {  	_ =	swait.ge [sflag:s8], $0x180  }
0x82: {  	s2 =	rddreg [dreg:$0x9];
	[sflag:s8] =	ssyncset.done $0x0  }
0x83: {  	s3 =	rddreg [dreg:$0xd];
	[sflag:s8] =	ssyncadd.s32 $0xFFFFFE80  }
0x84: {  	[spmem:s2] =	stream.linear.scatter [tilespmem:s3], [sflag:$0x2], $0x180, $0x38;
	[tilespmem:$0x12A00] =	vst v63  }
0x85: {  	_ =	swait.ge [sflag:s8], $0x180  }
0x86: {  	[sflag:s8] =	ssyncset.done $0x0  }
0x87: {  	[sflag:s8] =	ssyncadd.s32 $0xFFFFFE80  }
0x88: {  	[bflag:$0x0] =	sbarrier.arrive $0xFFFF  }
0x89: {  	s2 =	rddreg [dreg:$0xe]  }
0x8a: {  	s3 =	rddreg [dreg:$0x2]  }
0x8b: {  	[spmem:s3] =	stream.indirect.scatter [tilespmem:s2], [sflag:$0x2], $0x1, s5, s9, $0xb8;
	[tilespmem:$0x12A00] =	vst v63  }
0x8c: {  	_ =	swait.ge [sflag:s8], $0x100  }
0x8d: {  	[sflag:s8] =	ssyncset.done $0x0  }
0x8e: {  	[sflag:s8] =	ssyncadd.s32 $0xFFFFFF00  }
0x8f: {  	[spmem:s4] =	stream.indirect.scatter [tilespmem:s9], [sflag:$0x2], $0x1, s5, s9, $0xb8;
	[tilespmem:$0x12A00] =	vst v63  }
0x90: {  	_ =	swait.ge [sflag:s8], $0x100  }
0x91: {  	[sflag:s8] =	ssyncset.done $0x0  }
0x92: {  	[sflag:s8] =	ssyncadd.s32 $0xFFFFFF00  }
0x93: {  	[bflag:$0x0] =	sbarrier.arrive $0xFFFF  }
0x94: {  	s0 =	rddreg [dreg:$0x5]  }
0x95: {  	s2 =	rddreg [dreg:$0xf]  }
0x96: {  	s3 =	rddreg [dreg:$0x10]  }
0x97: {  	[hbm:s0], [sflag:s2] =	dma.local @!p0 [spmem:s3], $0x300  }
0x98: {  	s0 =	simm.s32 @!p0 $0x2  }
0x99: {  	_ =	swait.ge @!p0 [sflag:s0], $0x300  }
0x9a: {  	s2 =	rddreg [dreg:$0xa];
	[sflag:s0] =	ssyncset.done @!p0 $0x0  }
0x9b: {  	s3 =	rddreg [dreg:$0x11];
	[sflag:s0] =	ssyncadd.s32 @!p0 $0xFFFFFD00  }
0x9c: {  	[tilespmem:s3], [sflag:$0x2] =	stream.linear.gather [spmem:s2], $0xC0, $0x38;
	[tilespmem:$0x12A00] =	vst v63  }
0x9d: {  	_ =	swait.ge [sflag:s8], $0xC0  }
0x9e: {  	[sflag:s8] =	ssyncset.done $0x0  }
0x9f: {  	[sflag:s8] =	ssyncadd.s32 $0xFFFFFF40  }
0xa0: {  	v21 =	vld [tilespmem:$0x600];
	_ =	sdelay $0x4  }
0xa1: {  	v22 =	vshrl.u32 v21, $0x3  }
0xa2: {  	v22 =	vmul.u32 $0x18, v22  }
0xa3: {  	v21 =	vand.u32 $0x7, v21  }
0xa4: {  	v21 =	vor.u32 v21, v22  }
0xa5: {  	v22 =	vperm.xlane v21, v18;
	_ =	sdelay $0x1  }
0xa6: {  	v22 =	vadd.s32 v19, v22;
	_ =	sdelay $0x1  }
0xa7: {  	v21 =	vperm.xlane v21, v20;
	_ =	sdelay $0x1  }
0xa8: {  	v21 =	vadd.s32 v19, v21  }
0xa9: {  	[tilespmem:s10], [sflag:$0x1] =	stream.indirect_vreg.gather [hbm4b:s1+s5], $0x80, v22, vm0, $0xb8;
	[tilespmem:$0x12A00] =	vst v63  }
0xaa: {  	s3 =	rddreg [dreg:$0x12]  }
0xab: {  	[tilespmem:s3], [sflag:$0x1] =	stream.indirect_vreg.gather [hbm4b:s6+s5], $0x80, v22, vm1, $0xb8;
	[tilespmem:$0x12A00] =	vst v63  }
0xac: {  	s2 =	rddreg [dreg:$0x13]  }
0xad: {  	[tilespmem:s2], [sflag:$0x1] =	stream.indirect_vreg.gather [hbm4b:s1+s5], $0x80, v21, vm0, $0xb8;
	[tilespmem:$0x12A00] =	vst v63  }
0xae: {  	s3 =	rddreg [dreg:$0x14]  }
0xaf: {  	[tilespmem:s3], [sflag:$0x1] =	stream.indirect_vreg.gather [hbm4b:s6+s5], $0x80, v21, vm1, $0xb8;
	[tilespmem:$0x12A00] =	vst v63  }
0xb0: {  	v21 =	vld [tilespmem:$0x610];
	_ =	sdelay $0x4  }
0xb1: {  	v22 =	vshrl.u32 v21, $0x3  }
0xb2: {  	v22 =	vmul.u32 $0x18, v22  }
0xb3: {  	v21 =	vand.u32 $0x7, v21  }
0xb4: {  	v21 =	vor.u32 v21, v22  }
0xb5: {  	v22 =	vperm.xlane v21, v18;
	_ =	sdelay $0x1  }
0xb6: {  	v22 =	vadd.s32 v19, v22;
	_ =	sdelay $0x1  }
0xb7: {  	v21 =	vperm.xlane v21, v20;
	_ =	sdelay $0x1  }
0xb8: {  	s2 =	rddreg [dreg:$0x15];
	v21 =	vadd.s32 v19, v21  }
0xb9: {  	[tilespmem:s2], [sflag:$0x1] =	stream.indirect_vreg.gather [hbm4b:s1+s5], $0x80, v22, vm0, $0xb8;
	[tilespmem:$0x12A00] =	vst v63  }
0xba: {  	s3 =	rddreg [dreg:$0x16]  }
0xbb: {  	[tilespmem:s3], [sflag:$0x1] =	stream.indirect_vreg.gather [hbm4b:s6+s5], $0x80, v22, vm1, $0xb8;
	[tilespmem:$0x12A00] =	vst v63  }
0xbc: {  	s0 =	rddreg [dreg:$0x17]  }
0xbd: {  	[tilespmem:s0], [sflag:$0x1] =	stream.indirect_vreg.gather [hbm4b:s1+s5], $0x80, v21, vm0, $0xb8;
	[tilespmem:$0x12A00] =	vst v63  }
0xbe: {  	s3 =	rddreg [dreg:$0x18]  }
0xbf: {  	[tilespmem:s3], [sflag:$0x1] =	stream.indirect_vreg.gather [hbm4b:s6+s5], $0x80, v21, vm1, $0xb8;
	[tilespmem:$0x12A00] =	vst v63  }
0xc0: {  	v21 =	vld [tilespmem:$0x620];
	_ =	sdelay $0x4  }
0xc1: {  	v22 =	vshrl.u32 v21, $0x3  }
0xc2: {  	v22 =	vmul.u32 $0x18, v22  }
0xc3: {  	v21 =	vand.u32 $0x7, v21  }
0xc4: {  	v21 =	vor.u32 v21, v22  }
0xc5: {  	v22 =	vperm.xlane v21, v18;
	_ =	sdelay $0x1  }
0xc6: {  	v22 =	vadd.s32 v19, v22;
	_ =	sdelay $0x1  }
0xc7: {  	v21 =	vperm.xlane v21, v20;
	_ =	sdelay $0x1  }
0xc8: {  	s2 =	rddreg [dreg:$0x19];
	v21 =	vadd.s32 v19, v21  }
0xc9: {  	[tilespmem:s2], [sflag:$0x1] =	stream.indirect_vreg.gather [hbm4b:s1+s5], $0x80, v22, vm0, $0xb8;
	[tilespmem:$0x12A00] =	vst v63  }
0xca: {  	s3 =	rddreg [dreg:$0x1a]  }
0xcb: {  	[tilespmem:s3], [sflag:$0x1] =	stream.indirect_vreg.gather [hbm4b:s6+s5], $0x80, v22, vm1, $0xb8;
	[tilespmem:$0x12A00] =	vst v63  }
0xcc: {  	s0 =	rddreg [dreg:$0x1b]  }
0xcd: {  	[tilespmem:s0], [sflag:$0x1] =	stream.indirect_vreg.gather [hbm4b:s1+s5], $0x80, v21, vm0, $0xb8;
	[tilespmem:$0x12A00] =	vst v63  }
0xce: {  	s3 =	rddreg [dreg:$0x1c]  }
0xcf: {  	[tilespmem:s3], [sflag:$0x1] =	stream.indirect_vreg.gather [hbm4b:s6+s5], $0x80, v21, vm1, $0xb8;
	[tilespmem:$0x12A00] =	vst v63  }
0xd0: {  	v21 =	vld [tilespmem:$0x630];
	_ =	sdelay $0x4  }
0xd1: {  	v22 =	vshrl.u32 v21, $0x3  }
0xd2: {  	v22 =	vmul.u32 $0x18, v22  }
0xd3: {  	v21 =	vand.u32 $0x7, v21  }
0xd4: {  	v21 =	vor.u32 v21, v22  }
0xd5: {  	v22 =	vperm.xlane v21, v18;
	_ =	sdelay $0x1  }
0xd6: {  	v22 =	vadd.s32 v19, v22;
	_ =	sdelay $0x1  }
0xd7: {  	v21 =	vperm.xlane v21, v20  }
0xd8: {  	s2 =	rddreg [dreg:$0x1d]  }
0xd9: {  	s0 =	rddreg [dreg:$0x1f];
	v21 =	vadd.s32 v19, v21  }
0xda: {  	[tilespmem:s2], [sflag:$0x1] =	stream.indirect_vreg.gather [hbm4b:s1+s5], $0x80, v22, vm0, $0xb8;
	[tilespmem:$0x12A00] =	vst v63  }
0xdb: {  	s3 =	rddreg [dreg:$0x1e]  }
0xdc: {  	[tilespmem:s3], [sflag:$0x1] =	stream.indirect_vreg.gather [hbm4b:s6+s5], $0x80, v22, vm1, $0xb8;
	[tilespmem:$0x12A00] =	vst v63  }
0xdd: {  	s3 =	sld [smem:$0x7F0]  }
0xde: {  	[tilespmem:s0], [sflag:$0x1] =	stream.indirect_vreg.gather [hbm4b:s1+s5], $0x80, v21, vm0, $0xb8;
	[tilespmem:$0x12A00] =	vst v63  }
0xdf: {  	_ = 	snop  }
0xe0: {  	[tilespmem:s3], [sflag:$0x1] =	stream.indirect_vreg.gather [hbm4b:s6+s5], $0x80, v21, vm1, $0xb8;
	[tilespmem:$0x12A00] =	vst v63  }
0xe1: {  	v21 =	vld [tilespmem:$0x640];
	_ =	sdelay $0x4  }
0xe2: {  	v22 =	vshrl.u32 v21, $0x3  }
0xe3: {  	v22 =	vmul.u32 $0x18, v22  }
0xe4: {  	v21 =	vand.u32 $0x7, v21  }
0xe5: {  	v21 =	vor.u32 v21, v22  }
0xe6: {  	v22 =	vperm.xlane v21, v18;
	_ =	sdelay $0x1  }
0xe7: {  	v22 =	vadd.s32 v19, v22;
	_ =	sdelay $0x1  }
0xe8: {  	s2 =	sld [smem:$0x7F1];
	v21 =	vperm.xlane v21, v20;
	_ =	sdelay $0x1  }
0xe9: {  	s3 =	sld [smem:$0x7F2];
	v21 =	vadd.s32 v19, v21  }
0xea: {  	[tilespmem:s2], [sflag:$0x1] =	stream.indirect_vreg.gather [hbm4b:s1+s5], $0x80, v22, vm0, $0xb8;
	[tilespmem:$0x12A00] =	vst v63  }
0xeb: {  	s0 =	sld [smem:$0x7F3]  }
0xec: {  	[tilespmem:s3], [sflag:$0x1] =	stream.indirect_vreg.gather [hbm4b:s6+s5], $0x80, v22, vm1, $0xb8;
	[tilespmem:$0x12A00] =	vst v63  }
0xed: {  	s3 =	sld [smem:$0x7F4]  }
0xee: {  	[tilespmem:s0], [sflag:$0x1] =	stream.indirect_vreg.gather [hbm4b:s1+s5], $0x80, v21, vm0, $0xb8;
	[tilespmem:$0x12A00] =	vst v63  }
0xef: {  	_ = 	snop  }
0xf0: {  	[tilespmem:s3], [sflag:$0x1] =	stream.indirect_vreg.gather [hbm4b:s6+s5], $0x80, v21, vm1, $0xb8;
	[tilespmem:$0x12A00] =	vst v63  }
0xf1: {  	v21 =	vld [tilespmem:$0x650];
	_ =	sdelay $0x4  }
0xf2: {  	v22 =	vshrl.u32 v21, $0x3  }
0xf3: {  	v22 =	vmul.u32 $0x18, v22  }
0xf4: {  	v21 =	vand.u32 $0x7, v21  }
0xf5: {  	v21 =	vor.u32 v21, v22  }
0xf6: {  	v22 =	vperm.xlane v21, v18;
	_ =	sdelay $0x1  }
0xf7: {  	v22 =	vadd.s32 v19, v22;
	_ =	sdelay $0x1  }
0xf8: {  	s2 =	sld [smem:$0x7F5];
	v21 =	vperm.xlane v21, v20;
	_ =	sdelay $0x1  }
0xf9: {  	s3 =	sld [smem:$0x7F6];
	v21 =	vadd.s32 v19, v21  }
0xfa: {  	[tilespmem:s2], [sflag:$0x1] =	stream.indirect_vreg.gather [hbm4b:s1+s5], $0x80, v22, vm0, $0xb8;
	[tilespmem:$0x12A00] =	vst v63  }
0xfb: {  	s0 =	sld [smem:$0x7F7]  }
0xfc: {  	[tilespmem:s3], [sflag:$0x1] =	stream.indirect_vreg.gather [hbm4b:s6+s5], $0x80, v22, vm1, $0xb8;
	[tilespmem:$0x12A00] =	vst v63  }
0xfd: {  	s3 =	sld [smem:$0x7F8]  }
0xfe: {  	[tilespmem:s0], [sflag:$0x1] =	stream.indirect_vreg.gather [hbm4b:s1+s5], $0x80, v21, vm0, $0xb8;
	[tilespmem:$0x12A00] =	vst v63  }
0xff: {  	_ = 	snop  }
0x100: {  	[tilespmem:s3], [sflag:$0x1] =	stream.indirect_vreg.gather [hbm4b:s6+s5], $0x80, v21, vm1, $0xb8;
	[tilespmem:$0x12A00] =	vst v63  }
0x101: {  	v21 =	vld [tilespmem:$0x660];
	_ =	sdelay $0x4  }
0x102: {  	v22 =	vshrl.u32 v21, $0x3  }
0x103: {  	v22 =	vmul.u32 $0x18, v22  }
0x104: {  	v21 =	vand.u32 $0x7, v21  }
0x105: {  	v21 =	vor.u32 v21, v22  }
0x106: {  	v22 =	vperm.xlane v21, v18;
	_ =	sdelay $0x1  }
0x107: {  	v22 =	vadd.s32 v19, v22;
	_ =	sdelay $0x1  }
0x108: {  	s2 =	sld [smem:$0x7F9];
	v21 =	vperm.xlane v21, v20;
	_ =	sdelay $0x1  }
0x109: {  	s3 =	sld [smem:$0x7FA];
	v21 =	vadd.s32 v19, v21  }
0x10a: {  	[tilespmem:s2], [sflag:$0x1] =	stream.indirect_vreg.gather [hbm4b:s1+s5], $0x80, v22, vm0, $0xb8;
	[tilespmem:$0x12A00] =	vst v63  }
0x10b: {  	s0 =	sld [smem:$0x7FB]  }
0x10c: {  	[tilespmem:s3], [sflag:$0x1] =	stream.indirect_vreg.gather [hbm4b:s6+s5], $0x80, v22, vm1, $0xb8;
	[tilespmem:$0x12A00] =	vst v63  }
0x10d: {  	s3 =	sld [smem:$0x7FC]  }
0x10e: {  	[tilespmem:s0], [sflag:$0x1] =	stream.indirect_vreg.gather [hbm4b:s1+s5], $0x80, v21, vm0, $0xb8;
	[tilespmem:$0x12A00] =	vst v63  }
0x10f: {  	_ = 	snop  }
0x110: {  	[tilespmem:s3], [sflag:$0x1] =	stream.indirect_vreg.gather [hbm4b:s6+s5], $0x80, v21, vm1, $0xb8;
	[tilespmem:$0x12A00] =	vst v63  }
0x111: {  	v21 =	vld [tilespmem:$0x670];
	_ =	sdelay $0x4  }
0x112: {  	v22 =	vshrl.u32 v21, $0x3  }
0x113: {  	v22 =	vmul.u32 $0x18, v22  }
0x114: {  	v21 =	vand.u32 $0x7, v21  }
0x115: {  	v21 =	vor.u32 v21, v22  }
0x116: {  	v22 =	vperm.xlane v21, v18;
	_ =	sdelay $0x1  }
0x117: {  	v22 =	vadd.s32 v19, v22;
	_ =	sdelay $0x1  }
0x118: {  	s2 =	sld [smem:$0x7FD];
	v21 =	vperm.xlane v21, v20;
	_ =	sdelay $0x1  }
0x119: {  	v21 =	vadd.s32 v19, v21  }
0x11a: {  	[tilespmem:s2], [sflag:$0x1] =	stream.indirect_vreg.gather [hbm4b:s1+s5], $0x80, v22, vm0, $0xb8;
	[tilespmem:$0x12A00] =	vst v63  }
0x11b: {  	_ = 	snop  }
0x11c: {  	[tilespmem:s11], [sflag:$0x1] =	stream.indirect_vreg.gather [hbm4b:s6+s5], $0x80, v22, vm1, $0xb8;
	[tilespmem:$0x12A00] =	vst v63  }
0x11d: {  	_ = 	snop  }
0x11e: {  	[tilespmem:s12], [sflag:$0x1] =	stream.indirect_vreg.gather [hbm4b:s1+s5], $0x80, v21, vm0, $0xb8;
	[tilespmem:$0x12A00] =	vst v63  }
0x11f: {  	_ = 	snop  }
0x120: {  	[tilespmem:s13], [sflag:$0x1] =	stream.indirect_vreg.gather [hbm4b:s6+s5], $0x80, v21, vm1, $0xb8;
	[tilespmem:$0x12A00] =	vst v63  }
0x121: {  	v21 =	vld [tilespmem:$0x680];
	_ =	sdelay $0x4  }
0x122: {  	v22 =	vshrl.u32 v21, $0x3  }
0x123: {  	v22 =	vmul.u32 $0x18, v22  }
0x124: {  	v21 =	vand.u32 $0x7, v21  }
0x125: {  	v21 =	vor.u32 v21, v22  }
0x126: {  	v22 =	vperm.xlane v21, v18;
	_ =	sdelay $0x1  }
0x127: {  	v22 =	vadd.s32 v19, v22;
	_ =	sdelay $0x1  }
0x128: {  	v21 =	vperm.xlane v21, v20;
	_ =	sdelay $0x1  }
0x129: {  	v21 =	vadd.s32 v19, v21  }
0x12a: {  	[tilespmem:s14], [sflag:$0x1] =	stream.indirect_vreg.gather [hbm4b:s1+s5], $0x80, v22, vm0, $0xb8;
	[tilespmem:$0x12A00] =	vst v63  }
0x12b: {  	_ = 	snop  }
0x12c: {  	[tilespmem:s15], [sflag:$0x1] =	stream.indirect_vreg.gather [hbm4b:s6+s5], $0x80, v22, vm1, $0xb8;
	[tilespmem:$0x12A00] =	vst v63  }
0x12d: {  	_ = 	snop  }
0x12e: {  	[tilespmem:s16], [sflag:$0x1] =	stream.indirect_vreg.gather [hbm4b:s1+s5], $0x80, v21, vm0, $0xb8;
	[tilespmem:$0x12A00] =	vst v63  }
0x12f: {  	_ = 	snop  }
0x130: {  	[tilespmem:s17], [sflag:$0x1] =	stream.indirect_vreg.gather [hbm4b:s6+s5], $0x80, v21, vm1, $0xb8;
	[tilespmem:$0x12A00] =	vst v63  }
0x131: {  	v21 =	vld [tilespmem:$0x690];
	_ =	sdelay $0x4  }
0x132: {  	v22 =	vshrl.u32 v21, $0x3  }
0x133: {  	v22 =	vmul.u32 $0x18, v22  }
0x134: {  	v21 =	vand.u32 $0x7, v21  }
0x135: {  	v21 =	vor.u32 v21, v22  }
0x136: {  	v22 =	vperm.xlane v21, v18;
	_ =	sdelay $0x1  }
0x137: {  	v22 =	vadd.s32 v19, v22;
	_ =	sdelay $0x1  }
0x138: {  	v21 =	vperm.xlane v21, v20;
	_ =	sdelay $0x1  }
0x139: {  	v21 =	vadd.s32 v19, v21  }
0x13a: {  	[tilespmem:s18], [sflag:$0x1] =	stream.indirect_vreg.gather [hbm4b:s1+s5], $0x80, v22, vm0, $0xb8;
	[tilespmem:$0x12A00] =	vst v63  }
0x13b: {  	_ = 	snop  }
0x13c: {  	[tilespmem:s19], [sflag:$0x1] =	stream.indirect_vreg.gather [hbm4b:s6+s5], $0x80, v22, vm1, $0xb8;
	[tilespmem:$0x12A00] =	vst v63  }
0x13d: {  	_ = 	snop  }
0x13e: {  	[tilespmem:s20], [sflag:$0x1] =	stream.indirect_vreg.gather [hbm4b:s1+s5], $0x80, v21, vm0, $0xb8;
	[tilespmem:$0x12A00] =	vst v63  }
0x13f: {  	_ = 	snop  }
0x140: {  	[tilespmem:s21], [sflag:$0x1] =	stream.indirect_vreg.gather [hbm4b:s6+s5], $0x80, v21, vm1, $0xb8;
	[tilespmem:$0x12A00] =	vst v63  }
0x141: {  	v21 =	vld [tilespmem:$0x6A0];
	_ =	sdelay $0x4  }
0x142: {  	v22 =	vshrl.u32 v21, $0x3  }
0x143: {  	v22 =	vmul.u32 $0x18, v22  }
0x144: {  	v21 =	vand.u32 $0x7, v21  }
0x145: {  	v21 =	vor.u32 v21, v22  }
0x146: {  	v22 =	vperm.xlane v21, v18;
	_ =	sdelay $0x1  }
0x147: {  	v22 =	vadd.s32 v19, v22;
	_ =	sdelay $0x1  }
0x148: {  	v21 =	vperm.xlane v21, v20;
	_ =	sdelay $0x1  }
0x149: {  	v21 =	vadd.s32 v19, v21  }
0x14a: {  	[tilespmem:s22], [sflag:$0x1] =	stream.indirect_vreg.gather [hbm4b:s1+s5], $0x80, v22, vm0, $0xb8;
	[tilespmem:$0x12A00] =	vst v63  }
0x14b: {  	_ = 	snop  }
0x14c: {  	[tilespmem:s23], [sflag:$0x1] =	stream.indirect_vreg.gather [hbm4b:s6+s5], $0x80, v22, vm1, $0xb8;
	[tilespmem:$0x12A00] =	vst v63  }
0x14d: {  	_ = 	snop  }
0x14e: {  	[tilespmem:s24], [sflag:$0x1] =	stream.indirect_vreg.gather [hbm4b:s1+s5], $0x80, v21, vm0, $0xb8;
	[tilespmem:$0x12A00] =	vst v63  }
0x14f: {  	_ = 	snop  }
0x150: {  	[tilespmem:s25], [sflag:$0x1] =	stream.indirect_vreg.gather [hbm4b:s6+s5], $0x80, v21, vm1, $0xb8;
	[tilespmem:$0x12A00] =	vst v63  }
0x151: {  	v21 =	vld [tilespmem:$0x6B0];
	_ =	sdelay $0x4  }
0x152: {  	v22 =	vshrl.u32 v21, $0x3  }
0x153: {  	v22 =	vmul.u32 $0x18, v22  }
0x154: {  	v21 =	vand.u32 $0x7, v21  }
0x155: {  	v21 =	vor.u32 v21, v22  }
0x156: {  	v22 =	vperm.xlane v21, v18;
	_ =	sdelay $0x1  }
0x157: {  	v22 =	vadd.s32 v19, v22;
	_ =	sdelay $0x1  }
0x158: {  	v21 =	vperm.xlane v21, v20;
	_ =	sdelay $0x1  }
0x159: {  	v21 =	vadd.s32 v19, v21  }
0x15a: {  	[tilespmem:s26], [sflag:$0x1] =	stream.indirect_vreg.gather [hbm4b:s1+s5], $0x80, v22, vm0, $0xb8;
	[tilespmem:$0x12A00] =	vst v63  }
0x15b: {  	_ = 	snop  }
0x15c: {  	[tilespmem:s28], [sflag:$0x1] =	stream.indirect_vreg.gather [hbm4b:s6+s5], $0x80, v22, vm1, $0xb8;
	[tilespmem:$0x12A00] =	vst v63  }
0x15d: {  	_ = 	snop  }
0x15e: {  	[tilespmem:s29], [sflag:$0x1] =	stream.indirect_vreg.gather [hbm4b:s1+s5], $0x80, v21, vm0, $0xb8;
	[tilespmem:$0x12A00] =	vst v63  }
0x15f: {  	_ = 	snop  }
0x160: {  	[tilespmem:s30], [sflag:$0x1] =	stream.indirect_vreg.gather [hbm4b:s6+s5], $0x80, v21, vm1, $0xb8;
	[tilespmem:$0x12A00] =	vst v63  }
0x161: {  	_ =	swait.ge [sflag:s31], $0x9000  }
0x162: {  	[sflag:s31] =	ssyncset.done $0x0  }
0x163: {  	[sflag:s31] =	ssyncadd.s32 $0xFFFF7000  }
0x164: {  	s7 =	sadd.s32 $0xFFFFFFFF, s7;
	_ =	swait.ge [sflag:s31], $0x9000  }
0x165: {  	p1 =	sne.s32 s7, $0x0;
	[sflag:s31] =	ssyncset.done $0x0  }
.Ltmp0:
0x166: {  	s3 =	rddreg [dreg:$0xb];
	[sflag:s31] =	ssyncadd.s32 $0xFFFF7000;
	(pc) =	sbr.rel @p1 .LBB2_1-.Ltmp0, $4  }
0x167: {  	[hbm4b:s3+s5] =	stream.linear.scatter [tilespmem:s10], [sflag:$0x2], $0x12000, $0x38;
	[tilespmem:$0x12A00] =	vst v63  }
0x168: {  	_ =	swait.ge [sflag:s8], $0x12000  }
0x169: {  	[sflag:s8] =	ssyncset.done $0x0  }
0x16a: {  	[sflag:s8] =	ssyncadd.s32 $0xFFFEE000  }
0x16b: {  	_ =	sfence.sel $0x180000  }
0x16c: {  	[bflag:$0x0] =	sbarrier.arrive $0xFFFF  }
0x16d: {  	_ =	strace $0x90000047  }
0x16e: {  	s0 =	stileid.u32;
	[bflag:$0x2] =	sbarrier.arrive $0xFFFF  }
0x16f: {  	p0 =	sne.s32 s0, $0x0;
	s0 =	rddreg [dreg:$0x4]  }
0x170: {  	s0 =	sadd.s32 @!p0 $0x100000, s0  }
0x171: {  	[sflag:s0] =	ssyncadd.tile.s32 @!p0 $0x1;
	_ =	shalt  }
.Lfunc_end2:
_tile_overlayer_lowered:
.L_overlay_start_2:
0x172: {  	(tag) =	ssettag $0x2  }
0x173: {  	s0 =	rddreg [dreg:$0x0];
	s2 =	stileid.u32  }
0x174: {  	s1 =	rddreg [dreg:$0x1];
	p0 =	sne.s32 s2, $0x0  }
0x175: {  	s3 =	rddreg [dreg:$0x2];
	[bflag:$0x3] =	sbarrier.arrive $0xFFFF;
	s2 =	simm.s32 @!p0 $0x1C02  }
0x176: {  	[timem:s3], [sflag:s2] =	dma.local @!p0 [hbm:s0], s1  }
0x177: {  	s0 =	simm.s32 @!p0 $0x2  }
0x178: {  	_ =	swait.ge @!p0 [sflag:s0], s1  }
0x179: {  	s1 =	ssub.s32 @!p0 $0x0, s1;
	[sflag:s0] =	ssyncset.done @!p0 $0x0  }
0x17a: {  	[sflag:s0] =	ssyncadd.s32 @!p0 s1  }
0x17b: {  	[bflag:$0x3] =	sbarrier.arrive $0xFFFF  }
0x17c: {  	_ =	shalt  }

</sc_bundles>
